<compile_context>
chip_gen: v7x
topology: tpu7x:2x2x1
jax: 0.10.2.dev20260603
libtpu: 0.0.44.dev20260713+nightly
codegen_flags: <defaults>
</compile_context>

<pallas_src>
import functools

import jax
import jax.numpy as jnp
from jax import lax
from jax.experimental import pallas as pl
from jax.experimental.pallas import tpu as pltpu
from jax.experimental.pallas import tpu_sc as plsc

N = 10000
D = 128
NC = 2
NS = 16
NW = NC * NS
CHUNK = 128
NPAD = 10240
ROWS_PER_TILE = NPAD // NS
TRASH = N


def _deg_body(cpw0, cpw1, col0_hbm, col1_hbm, degp_hbm, col_v, ones_v, zb_v,
              deg_s):
    c = lax.axis_index("c")
    s = lax.axis_index("s")
    nch = jnp.where(c == 0, cpw0, cpw1)

    def fill(i, _):
        zb_v[pl.ds(i * 16, 16)] = jnp.zeros((16,), jnp.float32)
        return 0
    lax.fori_loop(0, ROWS_PER_TILE // 16, fill, 0)

    def fill1(i, _):
        ones_v[pl.ds(i * 16, 16)] = jnp.ones((16,), jnp.float32)
        return 0
    lax.fori_loop(0, CHUNK // 16, fill1, 0)

    pltpu.sync_copy(zb_v, deg_s.at[pl.ds(s * ROWS_PER_TILE, ROWS_PER_TILE)])
    plsc.subcore_barrier()

    @pl.when(c == 0)
    def _():
        pltpu.sync_copy(col0_hbm.at[s], col_v)

    @pl.when(c == 1)
    def _():
        pltpu.sync_copy(col1_hbm.at[s], col_v.at[pl.ds(0, cpw1)])

    def step(j, _):
        pltpu.sync_copy(ones_v, deg_s.at[col_v.at[j]], add=True)
        return 0
    lax.fori_loop(0, nch, step, 0)

    plsc.subcore_barrier()
    pltpu.sync_copy(deg_s.at[pl.ds(s * ROWS_PER_TILE, ROWS_PER_TILE)],
                    degp_hbm.at[c, pl.ds(s * ROWS_PER_TILE, ROWS_PER_TILE)])


def _agg_body(cpw0, cpw1, h_hbm, row0_hbm, row1_hbm, col0_hbm, col1_hbm,
              aggp_hbm, rowi_v, coli_v, rows_v, agg_s):
    c = lax.axis_index("c")
    s = lax.axis_index("s")
    nch = jnp.where(c == 0, cpw0, cpw1)

    def fill(i, _):
        for k in range(8):
            rows_v[i, pl.ds(k * 16, 16)] = jnp.zeros((16,), jnp.float32)
        return 0
    lax.fori_loop(0, 128, fill, 0)
    for k in range(ROWS_PER_TILE // 128):
        pltpu.sync_copy(rows_v, agg_s.at[pl.ds(s * ROWS_PER_TILE + k * 128, 128)])
    plsc.subcore_barrier()

    @pl.when(c == 0)
    def _():
        pltpu.sync_copy(row0_hbm.at[s], rowi_v)
        pltpu.sync_copy(col0_hbm.at[s], coli_v)

    @pl.when(c == 1)
    def _():
        pltpu.sync_copy(row1_hbm.at[s], rowi_v.at[pl.ds(0, cpw1)])
        pltpu.sync_copy(col1_hbm.at[s], coli_v.at[pl.ds(0, cpw1)])

    def step(j, _):
        pltpu.sync_copy(h_hbm.at[rowi_v.at[j]], rows_v)
        pltpu.sync_copy(rows_v, agg_s.at[coli_v.at[j]], add=True)
        return 0
    lax.fori_loop(0, nch, step, 0)

    plsc.subcore_barrier()
    pltpu.sync_copy(agg_s.at[pl.ds(s * ROWS_PER_TILE, ROWS_PER_TILE)],
                    aggp_hbm.at[c, pl.ds(s * ROWS_PER_TILE, ROWS_PER_TILE)])


def _sc_degree(col0, col1, cpw0, cpw1):
    body = functools.partial(_deg_body, cpw0, cpw1)
    return pl.kernel(
        body,
        out_type=jax.ShapeDtypeStruct((NC, NPAD), jnp.float32),
        mesh=plsc.VectorSubcoreMesh(core_axis_name="c", subcore_axis_name="s"),
        scratch_types=[
            pltpu.VMEM((cpw0, CHUNK), jnp.int32),
            pltpu.VMEM((CHUNK,), jnp.float32),
            pltpu.VMEM((ROWS_PER_TILE,), jnp.float32),
            pltpu.VMEM_SHARED((NPAD,), jnp.float32),
        ],
    )(col0, col1)


def _sc_aggregate(h, row0, row1, col0, col1, cpw0, cpw1):
    body = functools.partial(_agg_body, cpw0, cpw1)
    return pl.kernel(
        body,
        out_type=jax.ShapeDtypeStruct((NC, NPAD, D), jnp.float32),
        mesh=plsc.VectorSubcoreMesh(core_axis_name="c", subcore_axis_name="s"),
        scratch_types=[
            pltpu.VMEM((cpw0, CHUNK), jnp.int32),
            pltpu.VMEM((cpw0, CHUNK), jnp.int32),
            pltpu.VMEM((CHUNK, D), jnp.float32),
            pltpu.VMEM_SHARED((NPAD, D), jnp.float32),
        ],
    )(h, row0, row1, col0, col1)


_BM = 2000


def _tc1_body(x_ref, w_ref, degp_ref, o_ref):
    dis = lax.rsqrt(degp_ref[0] + degp_ref[1] + 1.0)
    h = lax.dot_general(x_ref[...], w_ref[...], (((1,), (1,)), ((), ())),
                        preferred_element_type=jnp.float32)
    o_ref[...] = h * dis


def _tc_scale_matmul(x, w, degp):
    return pl.pallas_call(
        _tc1_body,
        grid=(N // _BM,),
        in_specs=[
            pl.BlockSpec((_BM, D), lambda i: (i, 0)),
            pl.BlockSpec((D, D), lambda i: (0, 0)),
            pl.BlockSpec((NC, _BM, 1), lambda i: (0, i, 0)),
        ],
        out_specs=pl.BlockSpec((_BM, D), lambda i: (i, 0)),
        out_shape=jax.ShapeDtypeStruct((N, D), jnp.float32),
    )(x, w, degp)


def _tc2_body(aggp_ref, hp_ref, degp_ref, b_ref, w_ref, o_ref):
    dis = lax.rsqrt(degp_ref[0] + degp_ref[1] + 1.0)
    agg = aggp_ref[0] + aggp_ref[1] + hp_ref[...]
    h = dis * agg + b_ref[...]
    h = jnp.where(h >= 0, h, 0.01 * h)
    h2 = lax.dot_general(h, w_ref[...], (((1,), (1,)), ((), ())),
                         preferred_element_type=jnp.float32)
    o_ref[...] = h2 * dis


def _tc_combine_matmul(aggp, hp, degp, b, w):
    return pl.pallas_call(
        _tc2_body,
        grid=(N // _BM,),
        in_specs=[
            pl.BlockSpec((NC, _BM, D), lambda i: (0, i, 0)),
            pl.BlockSpec((_BM, D), lambda i: (i, 0)),
            pl.BlockSpec((NC, _BM, 1), lambda i: (0, i, 0)),
            pl.BlockSpec((1, D), lambda i: (0, 0)),
            pl.BlockSpec((D, D), lambda i: (0, 0)),
        ],
        out_specs=pl.BlockSpec((_BM, D), lambda i: (i, 0)),
        out_shape=jax.ShapeDtypeStruct((N, D), jnp.float32),
    )(aggp, hp, degp, b, w)


def _tc3_body(aggp_ref, hp_ref, degp_ref, b_ref, o_ref):
    dis = lax.rsqrt(degp_ref[0] + degp_ref[1] + 1.0)
    agg = aggp_ref[0] + aggp_ref[1] + hp_ref[...]
    h = dis * agg + b_ref[...]
    o_ref[...] = jnp.where(h >= 0, h, 0.01 * h)


def _tc_combine_final(aggp, hp, degp, b):
    return pl.pallas_call(
        _tc3_body,
        grid=(N // _BM,),
        in_specs=[
            pl.BlockSpec((NC, _BM, D), lambda i: (0, i, 0)),
            pl.BlockSpec((_BM, D), lambda i: (i, 0)),
            pl.BlockSpec((NC, _BM, 1), lambda i: (0, i, 0)),
            pl.BlockSpec((1, D), lambda i: (0, 0)),
        ],
        out_specs=pl.BlockSpec((_BM, D), lambda i: (i, 0)),
        out_shape=jax.ShapeDtypeStruct((N, D), jnp.float32),
    )(aggp, hp, degp, b)


def kernel(x, a, W0, b0, W1, b1):
    E = a.shape[1]
    cpt = -(-E // (CHUNK * NS))
    cpw0 = (cpt * 57 + 99) // 100
    cpw1 = cpt - cpw0
    e0 = NS * cpw0 * CHUNK
    e1 = NS * cpw1 * CHUNK
    pad = e0 + e1 - E

    row = jnp.concatenate([a[0], jnp.zeros((pad,), jnp.int32)])
    col = jnp.concatenate([a[1], jnp.full((pad,), TRASH, jnp.int32)])
    row0 = row[:e0].reshape(NS, cpw0, CHUNK)
    row1 = row[e0:].reshape(NS, cpw1, CHUNK)
    col0 = col[:e0].reshape(NS, cpw0, CHUNK)
    col1 = col[e0:].reshape(NS, cpw1, CHUNK)

    degp = _sc_degree(col0, col1, cpw0, cpw1)
    degp = degp.reshape(NC, NPAD, 1)

    h0 = _tc_scale_matmul(x, W0, degp)
    agg0 = _sc_aggregate(h0, row0, row1, col0, col1, cpw0, cpw1)
    h1 = _tc_combine_matmul(agg0, h0, degp,
                            b0.reshape(1, D), W1)
    agg1 = _sc_aggregate(h1, row0, row1, col0, col1, cpw0, cpw1)
    out = _tc_combine_final(agg1, h1, degp, b1.reshape(1, D))
    return out

# --- scband reference (transcript-rebuilt; emitter-appended) ---
"""Pipeline reference for scband-relation-network-21655225106934 (READ-ONLY COPY).

The authoritative reference and input builder live on the scoring server;
editing this copy changes nothing except your own understanding.
"""

import jax, jax.numpy as jnp
import numpy as np

N = 10000
E = 320000
D = 128
LAYERS = [(128, 128), (128, 128)]


def gcn_conv(x, edge_index, W, b):
    # Faithful PyG GCNConv: add self-loops, symmetric normalization,
    # linear transform (no bias in lin), scatter-add aggregation, then bias.
    n = x.shape[0]
    loop = jnp.arange(n, dtype=edge_index.dtype)
    row = jnp.concatenate([edge_index[0], loop])  # source nodes
    col = jnp.concatenate([edge_index[1], loop])  # destination nodes
    deg = jnp.zeros((n,), dtype=x.dtype).at[col].add(1.0)
    deg_inv_sqrt = jnp.where(deg > 0, 1.0 / jnp.sqrt(deg), 0.0)
    norm = deg_inv_sqrt[row] * deg_inv_sqrt[col]
    h = x @ W.T
    msg = h[row] * norm[:, None]
    out = jnp.zeros((n, W.shape[0]), dtype=x.dtype).at[col].add(msg)
    return out + b


def setup_inputs(seed: int = 0) -> dict:
    key = jax.random.key(seed)
    ks = jax.random.split(key, 2 + 2 * len(LAYERS))
    x = jax.random.normal(ks[0], (N, D), dtype=jnp.float32)
    a = jax.random.randint(ks[1], (2, E), 0, N, dtype=jnp.int32)
    inp = {"x": x, "a": a}
    for i, (ic, oc) in enumerate(LAYERS):
        std = 1.0 / np.sqrt(ic)
        inp[f"W{i}"] = jax.random.uniform(ks[2 + 2 * i], (oc, ic), minval=-std, maxval=std, dtype=jnp.float32)
        inp[f"b{i}"] = jax.random.uniform(ks[3 + 2 * i], (oc,), minval=-std, maxval=std, dtype=jnp.float32)
    return inp


def reference(x, a, W0, b0, W1, b1):
    h = gcn_conv(x, a, W0, b0)
    h = jax.nn.leaky_relu(h, negative_slope=0.01)
    h = gcn_conv(h, a, W1, b1)
    h = jax.nn.leaky_relu(h, negative_slope=0.01)
    return h

if __name__ == "__main__":
    import jax
    _d = setup_inputs()
    print(jax.jit(kernel)(*tuple(_d.values())))

</pallas_src>

<mosaic_0001>
#map = affine_map<(d0, d1) -> (0, 0)>
#map1 = affine_map<(d0, d1) -> (0, 0, 0)>
module attributes {stable_mosaic.version = 14 : i64} {
  func.func @_agg_body(%arg0: i32, %arg1: i32, %arg2: memref<10000x128xf32, #tpu.memory_space<hbm>>, %arg3: memref<16x90x128xi32, #tpu.memory_space<hbm>>, %arg4: memref<16x67x128xi32, #tpu.memory_space<hbm>>, %arg5: memref<16x90x128xi32, #tpu.memory_space<hbm>>, %arg6: memref<16x67x128xi32, #tpu.memory_space<hbm>>, %arg7: memref<2x10240x128xf32, #tpu.memory_space<hbm>>, %arg8: memref<90x128xi32, #tpu.memory_space<vmem>>, %arg9: memref<90x128xi32, #tpu.memory_space<vmem>>, %arg10: memref<128x128xf32, #tpu.memory_space<vmem>>, %arg11: memref<10240x128xf32, #tpu.memory_space<vmem_shared>>) attributes {dimension_semantics = [#tpu.dimension_semantics<core_parallel>, #tpu.dimension_semantics<subcore_parallel>], iteration_bounds = array<i64: 2, 16>, scalar_prefetch = 0 : i64, scratch_operands = 4 : i64, tpu.core_type = #tpu.core_type<sc_vector_subcore>, window_params = [{transform_indices = #map}, {transform_indices = #map1}, {transform_indices = #map1}, {transform_indices = #map1}, {transform_indices = #map1}, {transform_indices = #map1}]} {
    %eq3A = arith.constant 0 : i32
    %eq3A_0 = arith.cmpi eq, %arg0, %eq3A : i32
    %jit3A = arith.constant 90 : i32
    %jit3A_1 = arith.constant 67 : i32
    %select_n3A = arith.select %eq3A_0, %jit3A, %jit3A_1 : i32
    %scan3A = arith.constant 0 : i32
    %scan3A_2 = arith.constant 0 : i32
    %scan3A_3 = arith.constant 128 : i32
    %scan3A_4 = arith.addi %scan3A_2, %scan3A_3 : i32
    %scan3A_5 = arith.constant 1 : i32
    %scan3A_6 = scf.for %scan3A_50 = %scan3A_2 to %scan3A_4 step %scan3A_5 iter_args(%scan3A_51 = %scan3A) -> (i32)  : i32 {
      %broadcast_in_dim3A = arith.constant 0.000000e+00 : f32
      %broadcast_in_dim3A_52 = vector.broadcast %broadcast_in_dim3A : f32 to vector<16xf32>
      %swap3A = arith.index_cast %scan3A_50 : i32 to index
      %swap3A_53 = arith.constant 0 : index
      %swap3A_54 = tpu.vector_load %arg10[%swap3A, %swap3A_53] {strides = array<i32>} : memref<128x128xf32, #tpu.memory_space<vmem>>, vector<1x16xf32>,
      %swap3A_55 = vector.shape_cast %swap3A_54 : vector<1x16xf32> to vector<16xf32>
      %swap3A_56 = vector.shape_cast %broadcast_in_dim3A_52 : vector<16xf32> to vector<1x16xf32>
      tpu.vector_store %arg10[%swap3A, %swap3A_53], %swap3A_56 {strides = array<i32>} : memref<128x128xf32, #tpu.memory_space<vmem>>, vector<1x16xf32>,
      %broadcast_in_dim3A_57 = arith.constant 0.000000e+00 : f32
      %broadcast_in_dim3A_58 = vector.broadcast %broadcast_in_dim3A_57 : f32 to vector<16xf32>
      %swap3A_59 = arith.index_cast %scan3A_50 : i32 to index
      %swap3A_60 = arith.constant 16 : index
      %swap3A_61 = tpu.vector_load %arg10[%swap3A_59, %swap3A_60] {strides = array<i32>} : memref<128x128xf32, #tpu.memory_space<vmem>>, vector<1x16xf32>,
      %swap3A_62 = vector.shape_cast %swap3A_61 : vector<1x16xf32> to vector<16xf32>
      %swap3A_63 = vector.shape_cast %broadcast_in_dim3A_58 : vector<16xf32> to vector<1x16xf32>
      tpu.vector_store %arg10[%swap3A_59, %swap3A_60], %swap3A_63 {strides = array<i32>} : memref<128x128xf32, #tpu.memory_space<vmem>>, vector<1x16xf32>,
      %broadcast_in_dim3A_64 = arith.constant 0.000000e+00 : f32
      %broadcast_in_dim3A_65 = vector.broadcast %broadcast_in_dim3A_64 : f32 to vector<16xf32>
      %swap3A_66 = arith.index_cast %scan3A_50 : i32 to index
      %swap3A_67 = arith.constant 32 : index
      %swap3A_68 = tpu.vector_load %arg10[%swap3A_66, %swap3A_67] {strides = array<i32>} : memref<128x128xf32, #tpu.memory_space<vmem>>, vector<1x16xf32>,
      %swap3A_69 = vector.shape_cast %swap3A_68 : vector<1x16xf32> to vector<16xf32>
      %swap3A_70 = vector.shape_cast %broadcast_in_dim3A_65 : vector<16xf32> to vector<1x16xf32>
      tpu.vector_store %arg10[%swap3A_66, %swap3A_67], %swap3A_70 {strides = array<i32>} : memref<128x128xf32, #tpu.memory_space<vmem>>, vector<1x16xf32>,
      %broadcast_in_dim3A_71 = arith.constant 0.000000e+00 : f32
      %broadcast_in_dim3A_72 = vector.broadcast %broadcast_in_dim3A_71 : f32 to vector<16xf32>
      %swap3A_73 = arith.index_cast %scan3A_50 : i32 to index
      %swap3A_74 = arith.constant 48 : index
      %swap3A_75 = tpu.vector_load %arg10[%swap3A_73, %swap3A_74] {strides = array<i32>} : memref<128x128xf32, #tpu.memory_space<vmem>>, vector<1x16xf32>,
      %swap3A_76 = vector.shape_cast %swap3A_75 : vector<1x16xf32> to vector<16xf32>
      %swap3A_77 = vector.shape_cast %broadcast_in_dim3A_72 : vector<16xf32> to vector<1x16xf32>
      tpu.vector_store %arg10[%swap3A_73, %swap3A_74], %swap3A_77 {strides = array<i32>} : memref<128x128xf32, #tpu.memory_space<vmem>>, vector<1x16xf32>,
      %broadcast_in_dim3A_78 = arith.constant 0.000000e+00 : f32
      %broadcast_in_dim3A_79 = vector.broadcast %broadcast_in_dim3A_78 : f32 to vector<16xf32>
      %swap3A_80 = arith.index_cast %scan3A_50 : i32 to index
      %swap3A_81 = arith.constant 64 : index
      %swap3A_82 = tpu.vector_load %arg10[%swap3A_80, %swap3A_81] {strides = array<i32>} : memref<128x128xf32, #tpu.memory_space<vmem>>, vector<1x16xf32>,
      %swap3A_83 = vector.shape_cast %swap3A_82 : vector<1x16xf32> to vector<16xf32>
      %swap3A_84 = vector.shape_cast %broadcast_in_dim3A_79 : vector<16xf32> to vector<1x16xf32>
      tpu.vector_store %arg10[%swap3A_80, %swap3A_81], %swap3A_84 {strides = array<i32>} : memref<128x128xf32, #tpu.memory_space<vmem>>, vector<1x16xf32>,
      %broadcast_in_dim3A_85 = arith.constant 0.000000e+00 : f32
      %broadcast_in_dim3A_86 = vector.broadcast %broadcast_in_dim3A_85 : f32 to vector<16xf32>
      %swap3A_87 = arith.index_cast %scan3A_50 : i32 to index
      %swap3A_88 = arith.constant 80 : index
      %swap3A_89 = tpu.vector_load %arg10[%swap3A_87, %swap3A_88] {strides = array<i32>} : memref<128x128xf32, #tpu.memory_space<vmem>>, vector<1x16xf32>,
      %swap3A_90 = vector.shape_cast %swap3A_89 : vector<1x16xf32> to vector<16xf32>
      %swap3A_91 = vector.shape_cast %broadcast_in_dim3A_86 : vector<16xf32> to vector<1x16xf32>
      tpu.vector_store %arg10[%swap3A_87, %swap3A_88], %swap3A_91 {strides = array<i32>} : memref<128x128xf32, #tpu.memory_space<vmem>>, vector<1x16xf32>,
      %broadcast_in_dim3A_92 = arith.constant 0.000000e+00 : f32
      %broadcast_in_dim3A_93 = vector.broadcast %broadcast_in_dim3A_92 : f32 to vector<16xf32>
      %swap3A_94 = arith.index_cast %scan3A_50 : i32 to index
      %swap3A_95 = arith.constant 96 : index
      %swap3A_96 = tpu.vector_load %arg10[%swap3A_94, %swap3A_95] {strides = array<i32>} : memref<128x128xf32, #tpu.memory_space<vmem>>, vector<1x16xf32>,
      %swap3A_97 = vector.shape_cast %swap3A_96 : vector<1x16xf32> to vector<16xf32>
      %swap3A_98 = vector.shape_cast %broadcast_in_dim3A_93 : vector<16xf32> to vector<1x16xf32>
      tpu.vector_store %arg10[%swap3A_94, %swap3A_95], %swap3A_98 {strides = array<i32>} : memref<128x128xf32, #tpu.memory_space<vmem>>, vector<1x16xf32>,
      %broadcast_in_dim3A_99 = arith.constant 0.000000e+00 : f32
      %broadcast_in_dim3A_100 = vector.broadcast %broadcast_in_dim3A_99 : f32 to vector<16xf32>
      %swap3A_101 = arith.index_cast %scan3A_50 : i32 to index
      %swap3A_102 = arith.constant 112 : index
      %swap3A_103 = tpu.vector_load %arg10[%swap3A_101, %swap3A_102] {strides = array<i32>} : memref<128x128xf32, #tpu.memory_space<vmem>>, vector<1x16xf32>,
      %swap3A_104 = vector.shape_cast %swap3A_103 : vector<1x16xf32> to vector<16xf32>
      %swap3A_105 = vector.shape_cast %broadcast_in_dim3A_100 : vector<16xf32> to vector<1x16xf32>
      tpu.vector_store %arg10[%swap3A_101, %swap3A_102], %swap3A_105 {strides = array<i32>} : memref<128x128xf32, #tpu.memory_space<vmem>>, vector<1x16xf32>,
      %scan3A_106 = arith.constant 0 : i32
      scf.yield %scan3A_106 : i32
    }
    %scan3A_7 = arith.constant 128 : i32
    %mul3A = arith.constant 640 : i32
    %mul3A_8 = arith.muli %arg1, %mul3A : i32
    %add3A = arith.constant 0 : i32
    %add3A_9 = arith.addi %mul3A_8, %add3A : i32
    "tpu.region"() ({
      %run_scoped3A = tpu.sem_alloc : memref<!tpu.dma_semaphore, #tpu.memory_space<semaphore_mem>>
      %dma_start3A = arith.constant 0 : i32
      %dma_start3A_50 = tpu.memref_slice %arg11[%add3A_9, %dma_start3A] : memref<10240x128xf32, #tpu.memory_space<vmem_shared>> -> memref<128x128xf32, #tpu.memory_space<vmem_shared>>
      %dma_start3A_51 = arith.constant 0 : i32
      %dma_start3A_52 = tpu.memref_slice %arg11[%add3A_9, %dma_start3A_51] : memref<10240x128xf32, #tpu.memory_space<vmem_shared>> -> memref<128x128xf32, #tpu.memory_space<vmem_shared>>
      tpu.enqueue_dma source(%arg10 : memref<128x128xf32, #tpu.memory_space<vmem>>) target(%dma_start3A_52 : memref<128x128xf32, #tpu.memory_space<vmem_shared>>) target_semaphore(%run_scoped3A : memref<!tpu.dma_semaphore, #tpu.memory_space<semaphore_mem>>)
      %dma_wait3A = arith.constant 0 : i32
      %dma_wait3A_53 = tpu.memref_slice %arg11[%add3A_9, %dma_wait3A] : memref<10240x128xf32, #tpu.memory_space<vmem_shared>> -> memref<128x128xf32, #tpu.memory_space<vmem_shared>>
      %dma_wait3A_54 = arith.constant 0 : i32
      %dma_wait3A_55 = tpu.memref_slice %arg11[%add3A_9, %dma_wait3A_54] : memref<10240x128xf32, #tpu.memory_space<vmem_shared>> -> memref<128x128xf32, #tpu.memory_space<vmem_shared>>
      tpu.wait_dma2 semaphore(%run_scoped3A : memref<!tpu.dma_semaphore, #tpu.memory_space<semaphore_mem>>) src(%arg10 : memref<128x128xf32, #tpu.memory_space<vmem>>) dst(%dma_wait3A_55 : memref<128x128xf32, #tpu.memory_space<vmem_shared>>)
      tpu.yield
    }) : () -> ()
    %mul3A_10 = arith.constant 640 : i32
    %mul3A_11 = arith.muli %arg1, %mul3A_10 : i32
    %add3A_12 = arith.constant 128 : i32
    %add3A_13 = arith.addi %mul3A_11, %add3A_12 : i32
    "tpu.region"() ({
      %run_scoped3A = tpu.sem_alloc : memref<!tpu.dma_semaphore, #tpu.memory_space<semaphore_mem>>
      %dma_start3A = arith.constant 0 : i32
      %dma_start3A_50 = tpu.memref_slice %arg11[%add3A_13, %dma_start3A] : memref<10240x128xf32, #tpu.memory_space<vmem_shared>> -> memref<128x128xf32, #tpu.memory_space<vmem_shared>>
      %dma_start3A_51 = arith.constant 0 : i32
      %dma_start3A_52 = tpu.memref_slice %arg11[%add3A_13, %dma_start3A_51] : memref<10240x128xf32, #tpu.memory_space<vmem_shared>> -> memref<128x128xf32, #tpu.memory_space<vmem_shared>>
      tpu.enqueue_dma source(%arg10 : memref<128x128xf32, #tpu.memory_space<vmem>>) target(%dma_start3A_52 : memref<128x128xf32, #tpu.memory_space<vmem_shared>>) target_semaphore(%run_scoped3A : memref<!tpu.dma_semaphore, #tpu.memory_space<semaphore_mem>>)
      %dma_wait3A = arith.constant 0 : i32
      %dma_wait3A_53 = tpu.memref_slice %arg11[%add3A_13, %dma_wait3A] : memref<10240x128xf32, #tpu.memory_space<vmem_shared>> -> memref<128x128xf32, #tpu.memory_space<vmem_shared>>
      %dma_wait3A_54 = arith.constant 0 : i32
      %dma_wait3A_55 = tpu.memref_slice %arg11[%add3A_13, %dma_wait3A_54] : memref<10240x128xf32, #tpu.memory_space<vmem_shared>> -> memref<128x128xf32, #tpu.memory_space<vmem_shared>>
      tpu.wait_dma2 semaphore(%run_scoped3A : memref<!tpu.dma_semaphore, #tpu.memory_space<semaphore_mem>>) src(%arg10 : memref<128x128xf32, #tpu.memory_space<vmem>>) dst(%dma_wait3A_55 : memref<128x128xf32, #tpu.memory_space<vmem_shared>>)
      tpu.yield
    }) : () -> ()
    %mul3A_14 = arith.constant 640 : i32
    %mul3A_15 = arith.muli %arg1, %mul3A_14 : i32
    %add3A_16 = arith.constant 256 : i32
    %add3A_17 = arith.addi %mul3A_15, %add3A_16 : i32
    "tpu.region"() ({
      %run_scoped3A = tpu.sem_alloc : memref<!tpu.dma_semaphore, #tpu.memory_space<semaphore_mem>>
      %dma_start3A = arith.constant 0 : i32
      %dma_start3A_50 = tpu.memref_slice %arg11[%add3A_17, %dma_start3A] : memref<10240x128xf32, #tpu.memory_space<vmem_shared>> -> memref<128x128xf32, #tpu.memory_space<vmem_shared>>
      %dma_start3A_51 = arith.constant 0 : i32
      %dma_start3A_52 = tpu.memref_slice %arg11[%add3A_17, %dma_start3A_51] : memref<10240x128xf32, #tpu.memory_space<vmem_shared>> -> memref<128x128xf32, #tpu.memory_space<vmem_shared>>
      tpu.enqueue_dma source(%arg10 : memref<128x128xf32, #tpu.memory_space<vmem>>) target(%dma_start3A_52 : memref<128x128xf32, #tpu.memory_space<vmem_shared>>) target_semaphore(%run_scoped3A : memref<!tpu.dma_semaphore, #tpu.memory_space<semaphore_mem>>)
      %dma_wait3A = arith.constant 0 : i32
      %dma_wait3A_53 = tpu.memref_slice %arg11[%add3A_17, %dma_wait3A] : memref<10240x128xf32, #tpu.memory_space<vmem_shared>> -> memref<128x128xf32, #tpu.memory_space<vmem_shared>>
      %dma_wait3A_54 = arith.constant 0 : i32
      %dma_wait3A_55 = tpu.memref_slice %arg11[%add3A_17, %dma_wait3A_54] : memref<10240x128xf32, #tpu.memory_space<vmem_shared>> -> memref<128x128xf32, #tpu.memory_space<vmem_shared>>
      tpu.wait_dma2 semaphore(%run_scoped3A : memref<!tpu.dma_semaphore, #tpu.memory_space<semaphore_mem>>) src(%arg10 : memref<128x128xf32, #tpu.memory_space<vmem>>) dst(%dma_wait3A_55 : memref<128x128xf32, #tpu.memory_space<vmem_shared>>)
      tpu.yield
    }) : () -> ()
    %mul3A_18 = arith.constant 640 : i32
    %mul3A_19 = arith.muli %arg1, %mul3A_18 : i32
    %add3A_20 = arith.constant 384 : i32
    %add3A_21 = arith.addi %mul3A_19, %add3A_20 : i32
    "tpu.region"() ({
      %run_scoped3A = tpu.sem_alloc : memref<!tpu.dma_semaphore, #tpu.memory_space<semaphore_mem>>
      %dma_start3A = arith.constant 0 : i32
      %dma_start3A_50 = tpu.memref_slice %arg11[%add3A_21, %dma_start3A] : memref<10240x128xf32, #tpu.memory_space<vmem_shared>> -> memref<128x128xf32, #tpu.memory_space<vmem_shared>>
      %dma_start3A_51 = arith.constant 0 : i32
      %dma_start3A_52 = tpu.memref_slice %arg11[%add3A_21, %dma_start3A_51] : memref<10240x128xf32, #tpu.memory_space<vmem_shared>> -> memref<128x128xf32, #tpu.memory_space<vmem_shared>>
      tpu.enqueue_dma source(%arg10 : memref<128x128xf32, #tpu.memory_space<vmem>>) target(%dma_start3A_52 : memref<128x128xf32, #tpu.memory_space<vmem_shared>>) target_semaphore(%run_scoped3A : memref<!tpu.dma_semaphore, #tpu.memory_space<semaphore_mem>>)
      %dma_wait3A = arith.constant 0 : i32
      %dma_wait3A_53 = tpu.memref_slice %arg11[%add3A_21, %dma_wait3A] : memref<10240x128xf32, #tpu.memory_space<vmem_shared>> -> memref<128x128xf32, #tpu.memory_space<vmem_shared>>
      %dma_wait3A_54 = arith.constant 0 : i32
      %dma_wait3A_55 = tpu.memref_slice %arg11[%add3A_21, %dma_wait3A_54] : memref<10240x128xf32, #tpu.memory_space<vmem_shared>> -> memref<128x128xf32, #tpu.memory_space<vmem_shared>>
      tpu.wait_dma2 semaphore(%run_scoped3A : memref<!tpu.dma_semaphore, #tpu.memory_space<semaphore_mem>>) src(%arg10 : memref<128x128xf32, #tpu.memory_space<vmem>>) dst(%dma_wait3A_55 : memref<128x128xf32, #tpu.memory_space<vmem_shared>>)
      tpu.yield
    }) : () -> ()
    %mul3A_22 = arith.constant 640 : i32
    %mul3A_23 = arith.muli %arg1, %mul3A_22 : i32
    %add3A_24 = arith.constant 512 : i32
    %add3A_25 = arith.addi %mul3A_23, %add3A_24 : i32
    "tpu.region"() ({
      %run_scoped3A = tpu.sem_alloc : memref<!tpu.dma_semaphore, #tpu.memory_space<semaphore_mem>>
      %dma_start3A = arith.constant 0 : i32
      %dma_start3A_50 = tpu.memref_slice %arg11[%add3A_25, %dma_start3A] : memref<10240x128xf32, #tpu.memory_space<vmem_shared>> -> memref<128x128xf32, #tpu.memory_space<vmem_shared>>
      %dma_start3A_51 = arith.constant 0 : i32
      %dma_start3A_52 = tpu.memref_slice %arg11[%add3A_25, %dma_start3A_51] : memref<10240x128xf32, #tpu.memory_space<vmem_shared>> -> memref<128x128xf32, #tpu.memory_space<vmem_shared>>
      tpu.enqueue_dma source(%arg10 : memref<128x128xf32, #tpu.memory_space<vmem>>) target(%dma_start3A_52 : memref<128x128xf32, #tpu.memory_space<vmem_shared>>) target_semaphore(%run_scoped3A : memref<!tpu.dma_semaphore, #tpu.memory_space<semaphore_mem>>)
      %dma_wait3A = arith.constant 0 : i32
      %dma_wait3A_53 = tpu.memref_slice %arg11[%add3A_25, %dma_wait3A] : memref<10240x128xf32, #tpu.memory_space<vmem_shared>> -> memref<128x128xf32, #tpu.memory_space<vmem_shared>>
      %dma_wait3A_54 = arith.constant 0 : i32
      %dma_wait3A_55 = tpu.memref_slice %arg11[%add3A_25, %dma_wait3A_54] : memref<10240x128xf32, #tpu.memory_space<vmem_shared>> -> memref<128x128xf32, #tpu.memory_space<vmem_shared>>
      tpu.wait_dma2 semaphore(%run_scoped3A : memref<!tpu.dma_semaphore, #tpu.memory_space<semaphore_mem>>) src(%arg10 : memref<128x128xf32, #tpu.memory_space<vmem>>) dst(%dma_wait3A_55 : memref<128x128xf32, #tpu.memory_space<vmem_shared>>)
      tpu.yield
    }) : () -> ()
    %barrier3A = arith.constant 0 : index
    tpu.barrier barrier_id(%barrier3A)
    %eq3A_26 = arith.constant 0 : i32
    %eq3A_27 = arith.cmpi eq, %arg0, %eq3A_26 : i32
    %convert_element_type3A = arith.extui %eq3A_27 : i1 to i32
    %cond3A = arith.constant 0 : i32
    %cond3A_28 = arith.cmpi ne, %convert_element_type3A, %cond3A : i32
    scf.if %cond3A_28 {
      "tpu.region"() ({
        %run_scoped3A = tpu.sem_alloc : memref<!tpu.dma_semaphore, #tpu.memory_space<semaphore_mem>>
        %dma_start3A = arith.constant 0 : i32
        %dma_start3A_50 = arith.constant 0 : i32
        %dma_start3A_51 = tpu.memref_slice %arg3[%arg1, %dma_start3A, %dma_start3A_50] : memref<16x90x128xi32, #tpu.memory_space<hbm>> -> memref<1x90x128xi32, #tpu.memory_space<hbm>>
        %dma_start3A_52 = tpu.memref_squeeze %dma_start3A_51 : memref<1x90x128xi32, #tpu.memory_space<hbm>> -> memref<90x128xi32, #tpu.memory_space<hbm>>
        %dma_start3A_53 = arith.constant 0 : i32
        %dma_start3A_54 = arith.constant 0 : i32
        %dma_start3A_55 = tpu.memref_slice %arg3[%arg1, %dma_start3A_53, %dma_start3A_54] : memref<16x90x128xi32, #tpu.memory_space<hbm>> -> memref<1x90x128xi32, #tpu.memory_space<hbm>>
        %dma_start3A_56 = tpu.memref_squeeze %dma_start3A_55 : memref<1x90x128xi32, #tpu.memory_space<hbm>> -> memref<90x128xi32, #tpu.memory_space<hbm>>
        tpu.enqueue_dma source(%dma_start3A_56 : memref<90x128xi32, #tpu.memory_space<hbm>>) target(%arg8 : memref<90x128xi32, #tpu.memory_space<vmem>>) target_semaphore(%run_scoped3A : memref<!tpu.dma_semaphore, #tpu.memory_space<semaphore_mem>>)
        %dma_wait3A = arith.constant 0 : i32
        %dma_wait3A_57 = arith.constant 0 : i32
        %dma_wait3A_58 = tpu.memref_slice %arg3[%arg1, %dma_wait3A, %dma_wait3A_57] : memref<16x90x128xi32, #tpu.memory_space<hbm>> -> memref<1x90x128xi32, #tpu.memory_space<hbm>>
        %dma_wait3A_59 = tpu.memref_squeeze %dma_wait3A_58 : memref<1x90x128xi32, #tpu.memory_space<hbm>> -> memref<90x128xi32, #tpu.memory_space<hbm>>
        %dma_wait3A_60 = arith.constant 0 : i32
        %dma_wait3A_61 = arith.constant 0 : i32
        %dma_wait3A_62 = tpu.memref_slice %arg3[%arg1, %dma_wait3A_60, %dma_wait3A_61] : memref<16x90x128xi32, #tpu.memory_space<hbm>> -> memref<1x90x128xi32, #tpu.memory_space<hbm>>
        %dma_wait3A_63 = tpu.memref_squeeze %dma_wait3A_62 : memref<1x90x128xi32, #tpu.memory_space<hbm>> -> memref<90x128xi32, #tpu.memory_space<hbm>>
        tpu.wait_dma2 semaphore(%run_scoped3A : memref<!tpu.dma_semaphore, #tpu.memory_space<semaphore_mem>>) src(%dma_wait3A_63 : memref<90x128xi32, #tpu.memory_space<hbm>>) dst(%arg8 : memref<90x128xi32, #tpu.memory_space<vmem>>)
        tpu.yield
      }) : () -> ()
      "tpu.region"() ({
        %run_scoped3A = tpu.sem_alloc : memref<!tpu.dma_semaphore, #tpu.memory_space<semaphore_mem>>
        %dma_start3A = arith.constant 0 : i32
        %dma_start3A_50 = arith.constant 0 : i32
        %dma_start3A_51 = tpu.memref_slice %arg5[%arg1, %dma_start3A, %dma_start3A_50] : memref<16x90x128xi32, #tpu.memory_space<hbm>> -> memref<1x90x128xi32, #tpu.memory_space<hbm>>
        %dma_start3A_52 = tpu.memref_squeeze %dma_start3A_51 : memref<1x90x128xi32, #tpu.memory_space<hbm>> -> memref<90x128xi32, #tpu.memory_space<hbm>>
        %dma_start3A_53 = arith.constant 0 : i32
        %dma_start3A_54 = arith.constant 0 : i32
        %dma_start3A_55 = tpu.memref_slice %arg5[%arg1, %dma_start3A_53, %dma_start3A_54] : memref<16x90x128xi32, #tpu.memory_space<hbm>> -> memref<1x90x128xi32, #tpu.memory_space<hbm>>
        %dma_start3A_56 = tpu.memref_squeeze %dma_start3A_55 : memref<1x90x128xi32, #tpu.memory_space<hbm>> -> memref<90x128xi32, #tpu.memory_space<hbm>>
        tpu.enqueue_dma source(%dma_start3A_56 : memref<90x128xi32, #tpu.memory_space<hbm>>) target(%arg9 : memref<90x128xi32, #tpu.memory_space<vmem>>) target_semaphore(%run_scoped3A : memref<!tpu.dma_semaphore, #tpu.memory_space<semaphore_mem>>)
        %dma_wait3A = arith.constant 0 : i32
        %dma_wait3A_57 = arith.constant 0 : i32
        %dma_wait3A_58 = tpu.memref_slice %arg5[%arg1, %dma_wait3A, %dma_wait3A_57] : memref<16x90x128xi32, #tpu.memory_space<hbm>> -> memref<1x90x128xi32, #tpu.memory_space<hbm>>
        %dma_wait3A_59 = tpu.memref_squeeze %dma_wait3A_58 : memref<1x90x128xi32, #tpu.memory_space<hbm>> -> memref<90x128xi32, #tpu.memory_space<hbm>>
        %dma_wait3A_60 = arith.constant 0 : i32
        %dma_wait3A_61 = arith.constant 0 : i32
        %dma_wait3A_62 = tpu.memref_slice %arg5[%arg1, %dma_wait3A_60, %dma_wait3A_61] : memref<16x90x128xi32, #tpu.memory_space<hbm>> -> memref<1x90x128xi32, #tpu.memory_space<hbm>>
        %dma_wait3A_63 = tpu.memref_squeeze %dma_wait3A_62 : memref<1x90x128xi32, #tpu.memory_space<hbm>> -> memref<90x128xi32, #tpu.memory_space<hbm>>
        tpu.wait_dma2 semaphore(%run_scoped3A : memref<!tpu.dma_semaphore, #tpu.memory_space<semaphore_mem>>) src(%dma_wait3A_63 : memref<90x128xi32, #tpu.memory_space<hbm>>) dst(%arg9 : memref<90x128xi32, #tpu.memory_space<vmem>>)
        tpu.yield
      }) : () -> ()
    } else {
    }
    %eq3A_29 = arith.constant 1 : i32
    %eq3A_30 = arith.cmpi eq, %arg0, %eq3A_29 : i32
    %convert_element_type3A_31 = arith.extui %eq3A_30 : i1 to i32
    %cond3A_32 = arith.constant 0 : i32
    %cond3A_33 = arith.cmpi ne, %convert_element_type3A_31, %cond3A_32 : i32
    scf.if %cond3A_33 {
      "tpu.region"() ({
        %run_scoped3A = tpu.sem_alloc : memref<!tpu.dma_semaphore, #tpu.memory_space<semaphore_mem>>
        %dma_start3A = arith.constant 0 : i32
        %dma_start3A_50 = arith.constant 0 : i32
        %dma_start3A_51 = tpu.memref_slice %arg8[%dma_start3A, %dma_start3A_50] : memref<90x128xi32, #tpu.memory_space<vmem>> -> memref<67x128xi32, #tpu.memory_space<vmem>>
        %dma_start3A_52 = arith.constant 0 : i32
        %dma_start3A_53 = arith.constant 0 : i32
        %dma_start3A_54 = tpu.memref_slice %arg4[%arg1, %dma_start3A_52, %dma_start3A_53] : memref<16x67x128xi32, #tpu.memory_space<hbm>> -> memref<1x67x128xi32, #tpu.memory_space<hbm>>
        %dma_start3A_55 = tpu.memref_squeeze %dma_start3A_54 : memref<1x67x128xi32, #tpu.memory_space<hbm>> -> memref<67x128xi32, #tpu.memory_space<hbm>>
        %dma_start3A_56 = arith.constant 0 : i32
        %dma_start3A_57 = arith.constant 0 : i32
        %dma_start3A_58 = tpu.memref_slice %arg8[%dma_start3A_56, %dma_start3A_57] : memref<90x128xi32, #tpu.memory_space<vmem>> -> memref<67x128xi32, #tpu.memory_space<vmem>>
        %dma_start3A_59 = arith.constant 0 : i32
        %dma_start3A_60 = arith.constant 0 : i32
        %dma_start3A_61 = tpu.memref_slice %arg4[%arg1, %dma_start3A_59, %dma_start3A_60] : memref<16x67x128xi32, #tpu.memory_space<hbm>> -> memref<1x67x128xi32, #tpu.memory_space<hbm>>
        %dma_start3A_62 = tpu.memref_squeeze %dma_start3A_61 : memref<1x67x128xi32, #tpu.memory_space<hbm>> -> memref<67x128xi32, #tpu.memory_space<hbm>>
        tpu.enqueue_dma source(%dma_start3A_62 : memref<67x128xi32, #tpu.memory_space<hbm>>) target(%dma_start3A_58 : memref<67x128xi32, #tpu.memory_space<vmem>>) target_semaphore(%run_scoped3A : memref<!tpu.dma_semaphore, #tpu.memory_space<semaphore_mem>>)
        %dma_wait3A = arith.constant 0 : i32
        %dma_wait3A_63 = arith.constant 0 : i32
        %dma_wait3A_64 = tpu.memref_slice %arg8[%dma_wait3A, %dma_wait3A_63] : memref<90x128xi32, #tpu.memory_space<vmem>> -> memref<67x128xi32, #tpu.memory_space<vmem>>
        %dma_wait3A_65 = arith.constant 0 : i32
        %dma_wait3A_66 = arith.constant 0 : i32
        %dma_wait3A_67 = tpu.memref_slice %arg4[%arg1, %dma_wait3A_65, %dma_wait3A_66] : memref<16x67x128xi32, #tpu.memory_space<hbm>> -> memref<1x67x128xi32, #tpu.memory_space<hbm>>
        %dma_wait3A_68 = tpu.memref_squeeze %dma_wait3A_67 : memref<1x67x128xi32, #tpu.memory_space<hbm>> -> memref<67x128xi32, #tpu.memory_space<hbm>>
        %dma_wait3A_69 = arith.constant 0 : i32
        %dma_wait3A_70 = arith.constant 0 : i32
        %dma_wait3A_71 = tpu.memref_slice %arg8[%dma_wait3A_69, %dma_wait3A_70] : memref<90x128xi32, #tpu.memory_space<vmem>> -> memref<67x128xi32, #tpu.memory_space<vmem>>
        %dma_wait3A_72 = arith.constant 0 : i32
        %dma_wait3A_73 = arith.constant 0 : i32
        %dma_wait3A_74 = tpu.memref_slice %arg4[%arg1, %dma_wait3A_72, %dma_wait3A_73] : memref<16x67x128xi32, #tpu.memory_space<hbm>> -> memref<1x67x128xi32, #tpu.memory_space<hbm>>
        %dma_wait3A_75 = tpu.memref_squeeze %dma_wait3A_74 : memref<1x67x128xi32, #tpu.memory_space<hbm>> -> memref<67x128xi32, #tpu.memory_space<hbm>>
        tpu.wait_dma2 semaphore(%run_scoped3A : memref<!tpu.dma_semaphore, #tpu.memory_space<semaphore_mem>>) src(%dma_wait3A_75 : memref<67x128xi32, #tpu.memory_space<hbm>>) dst(%dma_wait3A_71 : memref<67x128xi32, #tpu.memory_space<vmem>>)
        tpu.yield
      }) : () -> ()
      "tpu.region"() ({
        %run_scoped3A = tpu.sem_alloc : memref<!tpu.dma_semaphore, #tpu.memory_space<semaphore_mem>>
        %dma_start3A = arith.constant 0 : i32
        %dma_start3A_50 = arith.constant 0 : i32
        %dma_start3A_51 = tpu.memref_slice %arg9[%dma_start3A, %dma_start3A_50] : memref<90x128xi32, #tpu.memory_space<vmem>> -> memref<67x128xi32, #tpu.memory_space<vmem>>
        %dma_start3A_52 = arith.constant 0 : i32
        %dma_start3A_53 = arith.constant 0 : i32
        %dma_start3A_54 = tpu.memref_slice %arg6[%arg1, %dma_start3A_52, %dma_start3A_53] : memref<16x67x128xi32, #tpu.memory_space<hbm>> -> memref<1x67x128xi32, #tpu.memory_space<hbm>>
        %dma_start3A_55 = tpu.memref_squeeze %dma_start3A_54 : memref<1x67x128xi32, #tpu.memory_space<hbm>> -> memref<67x128xi32, #tpu.memory_space<hbm>>
        %dma_start3A_56 = arith.constant 0 : i32
        %dma_start3A_57 = arith.constant 0 : i32
        %dma_start3A_58 = tpu.memref_slice %arg9[%dma_start3A_56, %dma_start3A_57] : memref<90x128xi32, #tpu.memory_space<vmem>> -> memref<67x128xi32, #tpu.memory_space<vmem>>
        %dma_start3A_59 = arith.constant 0 : i32
        %dma_start3A_60 = arith.constant 0 : i32
        %dma_start3A_61 = tpu.memref_slice %arg6[%arg1, %dma_start3A_59, %dma_start3A_60] : memref<16x67x128xi32, #tpu.memory_space<hbm>> -> memref<1x67x128xi32, #tpu.memory_space<hbm>>
        %dma_start3A_62 = tpu.memref_squeeze %dma_start3A_61 : memref<1x67x128xi32, #tpu.memory_space<hbm>> -> memref<67x128xi32, #tpu.memory_space<hbm>>
        tpu.enqueue_dma source(%dma_start3A_62 : memref<67x128xi32, #tpu.memory_space<hbm>>) target(%dma_start3A_58 : memref<67x128xi32, #tpu.memory_space<vmem>>) target_semaphore(%run_scoped3A : memref<!tpu.dma_semaphore, #tpu.memory_space<semaphore_mem>>)
        %dma_wait3A = arith.constant 0 : i32
        %dma_wait3A_63 = arith.constant 0 : i32
        %dma_wait3A_64 = tpu.memref_slice %arg9[%dma_wait3A, %dma_wait3A_63] : memref<90x128xi32, #tpu.memory_space<vmem>> -> memref<67x128xi32, #tpu.memory_space<vmem>>
        %dma_wait3A_65 = arith.constant 0 : i32
        %dma_wait3A_66 = arith.constant 0 : i32
        %dma_wait3A_67 = tpu.memref_slice %arg6[%arg1, %dma_wait3A_65, %dma_wait3A_66] : memref<16x67x128xi32, #tpu.memory_space<hbm>> -> memref<1x67x128xi32, #tpu.memory_space<hbm>>
        %dma_wait3A_68 = tpu.memref_squeeze %dma_wait3A_67 : memref<1x67x128xi32, #tpu.memory_space<hbm>> -> memref<67x128xi32, #tpu.memory_space<hbm>>
        %dma_wait3A_69 = arith.constant 0 : i32
        %dma_wait3A_70 = arith.constant 0 : i32
        %dma_wait3A_71 = tpu.memref_slice %arg9[%dma_wait3A_69, %dma_wait3A_70] : memref<90x128xi32, #tpu.memory_space<vmem>> -> memref<67x128xi32, #tpu.memory_space<vmem>>
        %dma_wait3A_72 = arith.constant 0 : i32
        %dma_wait3A_73 = arith.constant 0 : i32
        %dma_wait3A_74 = tpu.memref_slice %arg6[%arg1, %dma_wait3A_72, %dma_wait3A_73] : memref<16x67x128xi32, #tpu.memory_space<hbm>> -> memref<1x67x128xi32, #tpu.memory_space<hbm>>
        %dma_wait3A_75 = tpu.memref_squeeze %dma_wait3A_74 : memref<1x67x128xi32, #tpu.memory_space<hbm>> -> memref<67x128xi32, #tpu.memory_space<hbm>>
        tpu.wait_dma2 semaphore(%run_scoped3A : memref<!tpu.dma_semaphore, #tpu.memory_space<semaphore_mem>>) src(%dma_wait3A_75 : memref<67x128xi32, #tpu.memory_space<hbm>>) dst(%dma_wait3A_71 : memref<67x128xi32, #tpu.memory_space<vmem>>)
        tpu.yield
      }) : () -> ()
    } else {
    }
    %while3A = arith.constant 0 : i32
    %while3A_34 = arith.constant 0 : i32
    %while3A_35 = arith.subi %select_n3A, %while3A : i32
    %while3A_36 = arith.addi %while3A, %while3A_35 : i32
    %while3A_37 = arith.constant 1 : i32
    %while3A_38 = arith.divsi %while3A_35, %while3A_37 : i32
    %while3A_39 = arith.muli %while3A_38, %while3A_37 : i32
    %while3A_40 = arith.addi %while3A, %while3A_39 : i32
    %while3A_41 = arith.constant 1 : i32
    %while3A_42 = scf.for %while3A_50 = %while3A to %while3A_40 step %while3A_41 iter_args(%while3A_51 = %while3A_34) -> (i32)  : i32 {
      "tpu.region"() ({
        %run_scoped3A = tpu.sem_alloc : memref<!tpu.dma_semaphore, #tpu.memory_space<semaphore_mem>>
        %dma_start3A = arith.constant 0 : i32
        %dma_start3A_53 = tpu.memref_slice %arg8[%while3A_50, %dma_start3A] : memref<90x128xi32, #tpu.memory_space<vmem>> -> memref<1x128xi32, #tpu.memory_space<vmem>>
        %dma_start3A_54 = tpu.memref_squeeze %dma_start3A_53 : memref<1x128xi32, #tpu.memory_space<vmem>> -> memref<128xi32, #tpu.memory_space<vmem>>
        %dma_start3A_55 = arith.constant 0 : i32
        %dma_start3A_56 = arith.constant 0 : i32
        %dma_start3A_57 = tpu.memref_slice %arg2[%dma_start3A_55, %dma_start3A_56] : memref<10000x128xf32, #tpu.memory_space<hbm>> -> memref<10000x128xf32, #tpu.memory_space<hbm>>
        tpu.enqueue_indirect_dma source(%dma_start3A_57 : memref<10000x128xf32, #tpu.memory_space<hbm>>) target(%arg10 : memref<128x128xf32, #tpu.memory_space<vmem>>) offsets(%dma_start3A_54 : memref<128xi32, #tpu.memory_space<vmem>>) semaphore(%run_scoped3A : memref<!tpu.dma_semaphore, #tpu.memory_space<semaphore_mem>>)
        %dma_wait3A = arith.constant 0 : i32
        %dma_wait3A_58 = tpu.memref_slice %arg8[%while3A_50, %dma_wait3A] : memref<90x128xi32, #tpu.memory_space<vmem>> -> memref<1x128xi32, #tpu.memory_space<vmem>>
        %dma_wait3A_59 = tpu.memref_squeeze %dma_wait3A_58 : memref<1x128xi32, #tpu.memory_space<vmem>> -> memref<128xi32, #tpu.memory_space<vmem>>
        %dma_wait3A_60 = arith.constant 0 : i32
        %dma_wait3A_61 = arith.constant 0 : i32
        %dma_wait3A_62 = tpu.memref_slice %arg2[%dma_wait3A_60, %dma_wait3A_61] : memref<10000x128xf32, #tpu.memory_space<hbm>> -> memref<10000x128xf32, #tpu.memory_space<hbm>>
        tpu.wait_indirect_dma semaphore(%run_scoped3A : memref<!tpu.dma_semaphore, #tpu.memory_space<semaphore_mem>>) src(%dma_wait3A_62 : memref<10000x128xf32, #tpu.memory_space<hbm>>) dst(%arg10 : memref<128x128xf32, #tpu.memory_space<vmem>>)
        tpu.yield
      }) : () -> ()
      "tpu.region"() ({
        %run_scoped3A = tpu.sem_alloc : memref<!tpu.dma_semaphore, #tpu.memory_space<semaphore_mem>>
        %dma_start3A = arith.constant 0 : i32
        %dma_start3A_53 = tpu.memref_slice %arg9[%while3A_50, %dma_start3A] : memref<90x128xi32, #tpu.memory_space<vmem>> -> memref<1x128xi32, #tpu.memory_space<vmem>>
        %dma_start3A_54 = tpu.memref_squeeze %dma_start3A_53 : memref<1x128xi32, #tpu.memory_space<vmem>> -> memref<128xi32, #tpu.memory_space<vmem>>
        %dma_start3A_55 = arith.constant 0 : i32
        %dma_start3A_56 = arith.constant 0 : i32
        %dma_start3A_57 = tpu.memref_slice %arg11[%dma_start3A_55, %dma_start3A_56] : memref<10240x128xf32, #tpu.memory_space<vmem_shared>> -> memref<10240x128xf32, #tpu.memory_space<vmem_shared>>
        tpu.enqueue_indirect_dma source(%arg10 : memref<128x128xf32, #tpu.memory_space<vmem>>) target(%dma_start3A_57 : memref<10240x128xf32, #tpu.memory_space<vmem_shared>>) offsets(%dma_start3A_54 : memref<128xi32, #tpu.memory_space<vmem>>) semaphore(%run_scoped3A : memref<!tpu.dma_semaphore, #tpu.memory_space<semaphore_mem>>) {add = true}
        %dma_wait3A = arith.constant 0 : i32
        %dma_wait3A_58 = tpu.memref_slice %arg9[%while3A_50, %dma_wait3A] : memref<90x128xi32, #tpu.memory_space<vmem>> -> memref<1x128xi32, #tpu.memory_space<vmem>>
        %dma_wait3A_59 = tpu.memref_squeeze %dma_wait3A_58 : memref<1x128xi32, #tpu.memory_space<vmem>> -> memref<128xi32, #tpu.memory_space<vmem>>
        %dma_wait3A_60 = arith.constant 0 : i32
        %dma_wait3A_61 = arith.constant 0 : i32
        %dma_wait3A_62 = tpu.memref_slice %arg11[%dma_wait3A_60, %dma_wait3A_61] : memref<10240x128xf32, #tpu.memory_space<vmem_shared>> -> memref<10240x128xf32, #tpu.memory_space<vmem_shared>>
        tpu.wait_indirect_dma semaphore(%run_scoped3A : memref<!tpu.dma_semaphore, #tpu.memory_space<semaphore_mem>>) src(%arg10 : memref<128x128xf32, #tpu.memory_space<vmem>>) dst(%dma_wait3A_62 : memref<10240x128xf32, #tpu.memory_space<vmem_shared>>)
        tpu.yield
      }) : () -> ()
      %while3A_52 = arith.constant 0 : i32
      scf.yield %while3A_52 : i32
    }
    %while3A_43 = arith.constant 1 : i32
    %while3A_44 = scf.for %while3A_50 = %while3A_40 to %while3A_36 step %while3A_43 iter_args(%while3A_51 = %while3A_42) -> (i32)  : i32 {
      "tpu.region"() ({
        %run_scoped3A = tpu.sem_alloc : memref<!tpu.dma_semaphore, #tpu.memory_space<semaphore_mem>>
        %dma_start3A = arith.constant 0 : i32
        %dma_start3A_53 = tpu.memref_slice %arg8[%while3A_50, %dma_start3A] : memref<90x128xi32, #tpu.memory_space<vmem>> -> memref<1x128xi32, #tpu.memory_space<vmem>>
        %dma_start3A_54 = tpu.memref_squeeze %dma_start3A_53 : memref<1x128xi32, #tpu.memory_space<vmem>> -> memref<128xi32, #tpu.memory_space<vmem>>
        %dma_start3A_55 = arith.constant 0 : i32
        %dma_start3A_56 = arith.constant 0 : i32
        %dma_start3A_57 = tpu.memref_slice %arg2[%dma_start3A_55, %dma_start3A_56] : memref<10000x128xf32, #tpu.memory_space<hbm>> -> memref<10000x128xf32, #tpu.memory_space<hbm>>
        tpu.enqueue_indirect_dma source(%dma_start3A_57 : memref<10000x128xf32, #tpu.memory_space<hbm>>) target(%arg10 : memref<128x128xf32, #tpu.memory_space<vmem>>) offsets(%dma_start3A_54 : memref<128xi32, #tpu.memory_space<vmem>>) semaphore(%run_scoped3A : memref<!tpu.dma_semaphore, #tpu.memory_space<semaphore_mem>>)
        %dma_wait3A = arith.constant 0 : i32
        %dma_wait3A_58 = tpu.memref_slice %arg8[%while3A_50, %dma_wait3A] : memref<90x128xi32, #tpu.memory_space<vmem>> -> memref<1x128xi32, #tpu.memory_space<vmem>>
        %dma_wait3A_59 = tpu.memref_squeeze %dma_wait3A_58 : memref<1x128xi32, #tpu.memory_space<vmem>> -> memref<128xi32, #tpu.memory_space<vmem>>
        %dma_wait3A_60 = arith.constant 0 : i32
        %dma_wait3A_61 = arith.constant 0 : i32
        %dma_wait3A_62 = tpu.memref_slice %arg2[%dma_wait3A_60, %dma_wait3A_61] : memref<10000x128xf32, #tpu.memory_space<hbm>> -> memref<10000x128xf32, #tpu.memory_space<hbm>>
        tpu.wait_indirect_dma semaphore(%run_scoped3A : memref<!tpu.dma_semaphore, #tpu.memory_space<semaphore_mem>>) src(%dma_wait3A_62 : memref<10000x128xf32, #tpu.memory_space<hbm>>) dst(%arg10 : memref<128x128xf32, #tpu.memory_space<vmem>>)
        tpu.yield
      }) : () -> ()
      "tpu.region"() ({
        %run_scoped3A = tpu.sem_alloc : memref<!tpu.dma_semaphore, #tpu.memory_space<semaphore_mem>>
        %dma_start3A = arith.constant 0 : i32
        %dma_start3A_53 = tpu.memref_slice %arg9[%while3A_50, %dma_start3A] : memref<90x128xi32, #tpu.memory_space<vmem>> -> memref<1x128xi32, #tpu.memory_space<vmem>>
        %dma_start3A_54 = tpu.memref_squeeze %dma_start3A_53 : memref<1x128xi32, #tpu.memory_space<vmem>> -> memref<128xi32, #tpu.memory_space<vmem>>
        %dma_start3A_55 = arith.constant 0 : i32
        %dma_start3A_56 = arith.constant 0 : i32
        %dma_start3A_57 = tpu.memref_slice %arg11[%dma_start3A_55, %dma_start3A_56] : memref<10240x128xf32, #tpu.memory_space<vmem_shared>> -> memref<10240x128xf32, #tpu.memory_space<vmem_shared>>
        tpu.enqueue_indirect_dma source(%arg10 : memref<128x128xf32, #tpu.memory_space<vmem>>) target(%dma_start3A_57 : memref<10240x128xf32, #tpu.memory_space<vmem_shared>>) offsets(%dma_start3A_54 : memref<128xi32, #tpu.memory_space<vmem>>) semaphore(%run_scoped3A : memref<!tpu.dma_semaphore, #tpu.memory_space<semaphore_mem>>) {add = true}
        %dma_wait3A = arith.constant 0 : i32
        %dma_wait3A_58 = tpu.memref_slice %arg9[%while3A_50, %dma_wait3A] : memref<90x128xi32, #tpu.memory_space<vmem>> -> memref<1x128xi32, #tpu.memory_space<vmem>>
        %dma_wait3A_59 = tpu.memref_squeeze %dma_wait3A_58 : memref<1x128xi32, #tpu.memory_space<vmem>> -> memref<128xi32, #tpu.memory_space<vmem>>
        %dma_wait3A_60 = arith.constant 0 : i32
        %dma_wait3A_61 = arith.constant 0 : i32
        %dma_wait3A_62 = tpu.memref_slice %arg11[%dma_wait3A_60, %dma_wait3A_61] : memref<10240x128xf32, #tpu.memory_space<vmem_shared>> -> memref<10240x128xf32, #tpu.memory_space<vmem_shared>>
        tpu.wait_indirect_dma semaphore(%run_scoped3A : memref<!tpu.dma_semaphore, #tpu.memory_space<semaphore_mem>>) src(%arg10 : memref<128x128xf32, #tpu.memory_space<vmem>>) dst(%dma_wait3A_62 : memref<10240x128xf32, #tpu.memory_space<vmem_shared>>)
        tpu.yield
      }) : () -> ()
      %while3A_52 = arith.constant 0 : i32
      scf.yield %while3A_52 : i32
    }
    %barrier3A_45 = arith.constant 0 : index
    tpu.barrier barrier_id(%barrier3A_45)
    %mul3A_46 = arith.constant 640 : i32
    %mul3A_47 = arith.muli %arg1, %mul3A_46 : i32
    %mul3A_48 = arith.constant 640 : i32
    %mul3A_49 = arith.muli %arg1, %mul3A_48 : i32
    "tpu.region"() ({
      %run_scoped3A = tpu.sem_alloc : memref<!tpu.dma_semaphore, #tpu.memory_space<semaphore_mem>>
      %dma_start3A = arith.constant 0 : i32
      %dma_start3A_50 = tpu.memref_slice %arg7[%arg0, %mul3A_49, %dma_start3A] : memref<2x10240x128xf32, #tpu.memory_space<hbm>> -> memref<1x640x128xf32, #tpu.memory_space<hbm>>
      %dma_start3A_51 = tpu.memref_squeeze %dma_start3A_50 : memref<1x640x128xf32, #tpu.memory_space<hbm>> -> memref<640x128xf32, #tpu.memory_space<hbm>>
      %dma_start3A_52 = arith.constant 0 : i32
      %dma_start3A_53 = tpu.memref_slice %arg11[%mul3A_47, %dma_start3A_52] : memref<10240x128xf32, #tpu.memory_space<vmem_shared>> -> memref<640x128xf32, #tpu.memory_space<vmem_shared>>
      tpu.enqueue_dma source(%dma_start3A_53 : memref<640x128xf32, #tpu.memory_space<vmem_shared>>) target(%dma_start3A_51 : memref<640x128xf32, #tpu.memory_space<hbm>>) target_semaphore(%run_scoped3A : memref<!tpu.dma_semaphore, #tpu.memory_space<semaphore_mem>>)
      %dma_wait3A = arith.constant 0 : i32
      %dma_wait3A_54 = tpu.memref_slice %arg7[%arg0, %mul3A_49, %dma_wait3A] : memref<2x10240x128xf32, #tpu.memory_space<hbm>> -> memref<1x640x128xf32, #tpu.memory_space<hbm>>
      %dma_wait3A_55 = tpu.memref_squeeze %dma_wait3A_54 : memref<1x640x128xf32, #tpu.memory_space<hbm>> -> memref<640x128xf32, #tpu.memory_space<hbm>>
      %dma_wait3A_56 = arith.constant 0 : i32
      %dma_wait3A_57 = tpu.memref_slice %arg11[%mul3A_47, %dma_wait3A_56] : memref<10240x128xf32, #tpu.memory_space<vmem_shared>> -> memref<640x128xf32, #tpu.memory_space<vmem_shared>>
      tpu.wait_dma2 semaphore(%run_scoped3A : memref<!tpu.dma_semaphore, #tpu.memory_space<semaphore_mem>>) src(%dma_wait3A_57 : memref<640x128xf32, #tpu.memory_space<vmem_shared>>) dst(%dma_wait3A_55 : memref<640x128xf32, #tpu.memory_space<hbm>>)
      tpu.yield
    }) : () -> ()
    return
  }
}

#map = affine_map<(d0, d1) -> (0, 0)>
#map1 = affine_map<(d0, d1) -> (0, 0, 0)>
module attributes {stable_mosaic.version = 14 : i64} {
  func.func @_agg_body(%arg0: i32, %arg1: i32, %arg2: memref<10000x128xf32, #tpu.memory_space<hbm>>, %arg3: memref<16x90x128xi32, #tpu.memory_space<hbm>>, %arg4: memref<16x67x128xi32, #tpu.memory_space<hbm>>, %arg5: memref<16x90x128xi32, #tpu.memory_space<hbm>>, %arg6: memref<16x67x128xi32, #tpu.memory_space<hbm>>, %arg7: memref<2x10240x128xf32, #tpu.memory_space<hbm>>, %arg8: memref<90x128xi32, #tpu.memory_space<vmem>>, %arg9: memref<90x128xi32, #tpu.memory_space<vmem>>, %arg10: memref<128x128xf32, #tpu.memory_space<vmem>>, %arg11: memref<10240x128xf32, #tpu.memory_space<vmem_shared>>) attributes {dimension_semantics = [#tpu.dimension_semantics<core_parallel>, #tpu.dimension_semantics<subcore_parallel>], iteration_bounds = array<i64: 2, 16>, scalar_prefetch = 0 : i64, scratch_operands = 4 : i64, tpu.core_type = #tpu.core_type<sc_vector_subcore>, window_params = [{transform_indices = #map}, {transform_indices = #map1}, {transform_indices = #map1}, {transform_indices = #map1}, {transform_indices = #map1}, {transform_indices = #map1}]} {
    %eq3A = arith.constant 0 : i32
    %eq3A_0 = arith.cmpi eq, %arg0, %eq3A : i32
    %jit3A = arith.constant 90 : i32
    %jit3A_1 = arith.constant 67 : i32
    %select_n3A = arith.select %eq3A_0, %jit3A, %jit3A_1 : i32
    %scan3A = arith.constant 0 : i32
    %scan3A_2 = arith.constant 0 : i32
    %scan3A_3 = arith.constant 128 : i32
    %scan3A_4 = arith.addi %scan3A_2, %scan3A_3 : i32
    %scan3A_5 = arith.constant 1 : i32
    %scan3A_6 = scf.for %scan3A_50 = %scan3A_2 to %scan3A_4 step %scan3A_5 iter_args(%scan3A_51 = %scan3A) -> (i32)  : i32 {
      %broadcast_in_dim3A = arith.constant 0.000000e+00 : f32
      %broadcast_in_dim3A_52 = vector.broadcast %broadcast_in_dim3A : f32 to vector<16xf32>
      %swap3A = arith.index_cast %scan3A_50 : i32 to index
      %swap3A_53 = arith.constant 0 : index
      %swap3A_54 = tpu.vector_load %arg10[%swap3A, %swap3A_53] {strides = array<i32>} : memref<128x128xf32, #tpu.memory_space<vmem>>, vector<1x16xf32>,
      %swap3A_55 = vector.shape_cast %swap3A_54 : vector<1x16xf32> to vector<16xf32>
      %swap3A_56 = vector.shape_cast %broadcast_in_dim3A_52 : vector<16xf32> to vector<1x16xf32>
      tpu.vector_store %arg10[%swap3A, %swap3A_53], %swap3A_56 {strides = array<i32>} : memref<128x128xf32, #tpu.memory_space<vmem>>, vector<1x16xf32>,
      %broadcast_in_dim3A_57 = arith.constant 0.000000e+00 : f32
      %broadcast_in_dim3A_58 = vector.broadcast %broadcast_in_dim3A_57 : f32 to vector<16xf32>
      %swap3A_59 = arith.index_cast %scan3A_50 : i32 to index
      %swap3A_60 = arith.constant 16 : index
      %swap3A_61 = tpu.vector_load %arg10[%swap3A_59, %swap3A_60] {strides = array<i32>} : memref<128x128xf32, #tpu.memory_space<vmem>>, vector<1x16xf32>,
      %swap3A_62 = vector.shape_cast %swap3A_61 : vector<1x16xf32> to vector<16xf32>
      %swap3A_63 = vector.shape_cast %broadcast_in_dim3A_58 : vector<16xf32> to vector<1x16xf32>
      tpu.vector_store %arg10[%swap3A_59, %swap3A_60], %swap3A_63 {strides = array<i32>} : memref<128x128xf32, #tpu.memory_space<vmem>>, vector<1x16xf32>,
      %broadcast_in_dim3A_64 = arith.constant 0.000000e+00 : f32
      %broadcast_in_dim3A_65 = vector.broadcast %broadcast_in_dim3A_64 : f32 to vector<16xf32>
      %swap3A_66 = arith.index_cast %scan3A_50 : i32 to index
      %swap3A_67 = arith.constant 32 : index
      %swap3A_68 = tpu.vector_load %arg10[%swap3A_66, %swap3A_67] {strides = array<i32>} : memref<128x128xf32, #tpu.memory_space<vmem>>, vector<1x16xf32>,
      %swap3A_69 = vector.shape_cast %swap3A_68 : vector<1x16xf32> to vector<16xf32>
      %swap3A_70 = vector.shape_cast %broadcast_in_dim3A_65 : vector<16xf32> to vector<1x16xf32>
      tpu.vector_store %arg10[%swap3A_66, %swap3A_67], %swap3A_70 {strides = array<i32>} : memref<128x128xf32, #tpu.memory_space<vmem>>, vector<1x16xf32>,
      %broadcast_in_dim3A_71 = arith.constant 0.000000e+00 : f32
      %broadcast_in_dim3A_72 = vector.broadcast %broadcast_in_dim3A_71 : f32 to vector<16xf32>
      %swap3A_73 = arith.index_cast %scan3A_50 : i32 to index
      %swap3A_74 = arith.constant 48 : index
      %swap3A_75 = tpu.vector_load %arg10[%swap3A_73, %swap3A_74] {strides = array<i32>} : memref<128x128xf32, #tpu.memory_space<vmem>>, vector<1x16xf32>,
      %swap3A_76 = vector.shape_cast %swap3A_75 : vector<1x16xf32> to vector<16xf32>
      %swap3A_77 = vector.shape_cast %broadcast_in_dim3A_72 : vector<16xf32> to vector<1x16xf32>
      tpu.vector_store %arg10[%swap3A_73, %swap3A_74], %swap3A_77 {strides = array<i32>} : memref<128x128xf32, #tpu.memory_space<vmem>>, vector<1x16xf32>,
      %broadcast_in_dim3A_78 = arith.constant 0.000000e+00 : f32
      %broadcast_in_dim3A_79 = vector.broadcast %broadcast_in_dim3A_78 : f32 to vector<16xf32>
      %swap3A_80 = arith.index_cast %scan3A_50 : i32 to index
      %swap3A_81 = arith.constant 64 : index
      %swap3A_82 = tpu.vector_load %arg10[%swap3A_80, %swap3A_81] {strides = array<i32>} : memref<128x128xf32, #tpu.memory_space<vmem>>, vector<1x16xf32>,
      %swap3A_83 = vector.shape_cast %swap3A_82 : vector<1x16xf32> to vector<16xf32>
      %swap3A_84 = vector.shape_cast %broadcast_in_dim3A_79 : vector<16xf32> to vector<1x16xf32>
      tpu.vector_store %arg10[%swap3A_80, %swap3A_81], %swap3A_84 {strides = array<i32>} : memref<128x128xf32, #tpu.memory_space<vmem>>, vector<1x16xf32>,
      %broadcast_in_dim3A_85 = arith.constant 0.000000e+00 : f32
      %broadcast_in_dim3A_86 = vector.broadcast %broadcast_in_dim3A_85 : f32 to vector<16xf32>
      %swap3A_87 = arith.index_cast %scan3A_50 : i32 to index
      %swap3A_88 = arith.constant 80 : index
      %swap3A_89 = tpu.vector_load %arg10[%swap3A_87, %swap3A_88] {strides = array<i32>} : memref<128x128xf32, #tpu.memory_space<vmem>>, vector<1x16xf32>,
      %swap3A_90 = vector.shape_cast %swap3A_89 : vector<1x16xf32> to vector<16xf32>
      %swap3A_91 = vector.shape_cast %broadcast_in_dim3A_86 : vector<16xf32> to vector<1x16xf32>
      tpu.vector_store %arg10[%swap3A_87, %swap3A_88], %swap3A_91 {strides = array<i32>} : memref<128x128xf32, #tpu.memory_space<vmem>>, vector<1x16xf32>,
      %broadcast_in_dim3A_92 = arith.constant 0.000000e+00 : f32
      %broadcast_in_dim3A_93 = vector.broadcast %broadcast_in_dim3A_92 : f32 to vector<16xf32>
      %swap3A_94 = arith.index_cast %scan3A_50 : i32 to index
      %swap3A_95 = arith.constant 96 : index
      %swap3A_96 = tpu.vector_load %arg10[%swap3A_94, %swap3A_95] {strides = array<i32>} : memref<128x128xf32, #tpu.memory_space<vmem>>, vector<1x16xf32>,
      %swap3A_97 = vector.shape_cast %swap3A_96 : vector<1x16xf32> to vector<16xf32>
      %swap3A_98 = vector.shape_cast %broadcast_in_dim3A_93 : vector<16xf32> to vector<1x16xf32>
      tpu.vector_store %arg10[%swap3A_94, %swap3A_95], %swap3A_98 {strides = array<i32>} : memref<128x128xf32, #tpu.memory_space<vmem>>, vector<1x16xf32>,
      %broadcast_in_dim3A_99 = arith.constant 0.000000e+00 : f32
      %broadcast_in_dim3A_100 = vector.broadcast %broadcast_in_dim3A_99 : f32 to vector<16xf32>
      %swap3A_101 = arith.index_cast %scan3A_50 : i32 to index
      %swap3A_102 = arith.constant 112 : index
      %swap3A_103 = tpu.vector_load %arg10[%swap3A_101, %swap3A_102] {strides = array<i32>} : memref<128x128xf32, #tpu.memory_space<vmem>>, vector<1x16xf32>,
      %swap3A_104 = vector.shape_cast %swap3A_103 : vector<1x16xf32> to vector<16xf32>
      %swap3A_105 = vector.shape_cast %broadcast_in_dim3A_100 : vector<16xf32> to vector<1x16xf32>
      tpu.vector_store %arg10[%swap3A_101, %swap3A_102], %swap3A_105 {strides = array<i32>} : memref<128x128xf32, #tpu.memory_space<vmem>>, vector<1x16xf32>,
      %scan3A_106 = arith.constant 0 : i32
      scf.yield %scan3A_106 : i32
    }
    %scan3A_7 = arith.constant 128 : i32
    %mul3A = arith.constant 640 : i32
    %mul3A_8 = arith.muli %arg1, %mul3A : i32
    %add3A = arith.constant 0 : i32
    %add3A_9 = arith.addi %mul3A_8, %add3A : i32
    "tpu.region"() ({
      %run_scoped3A = tpu.sem_alloc : memref<!tpu.dma_semaphore, #tpu.memory_space<semaphore_mem>>
      %dma_start3A = arith.constant 0 : i32
      %dma_start3A_50 = tpu.memref_slice %arg11[%add3A_9, %dma_start3A] : memref<10240x128xf32, #tpu.memory_space<vmem_shared>> -> memref<128x128xf32, #tpu.memory_space<vmem_shared>>
      %dma_start3A_51 = arith.constant 0 : i32
      %dma_start3A_52 = tpu.memref_slice %arg11[%add3A_9, %dma_start3A_51] : memref<10240x128xf32, #tpu.memory_space<vmem_shared>> -> memref<128x128xf32, #tpu.memory_space<vmem_shared>>
      tpu.enqueue_dma source(%arg10 : memref<128x128xf32, #tpu.memory_space<vmem>>) target(%dma_start3A_52 : memref<128x128xf32, #tpu.memory_space<vmem_shared>>) target_semaphore(%run_scoped3A : memref<!tpu.dma_semaphore, #tpu.memory_space<semaphore_mem>>)
      %dma_wait3A = arith.constant 0 : i32
      %dma_wait3A_53 = tpu.memref_slice %arg11[%add3A_9, %dma_wait3A] : memref<10240x128xf32, #tpu.memory_space<vmem_shared>> -> memref<128x128xf32, #tpu.memory_space<vmem_shared>>
      %dma_wait3A_54 = arith.constant 0 : i32
      %dma_wait3A_55 = tpu.memref_slice %arg11[%add3A_9, %dma_wait3A_54] : memref<10240x128xf32, #tpu.memory_space<vmem_shared>> -> memref<128x128xf32, #tpu.memory_space<vmem_shared>>
      tpu.wait_dma2 semaphore(%run_scoped3A : memref<!tpu.dma_semaphore, #tpu.memory_space<semaphore_mem>>) src(%arg10 : memref<128x128xf32, #tpu.memory_space<vmem>>) dst(%dma_wait3A_55 : memref<128x128xf32, #tpu.memory_space<vmem_shared>>)
      tpu.yield
    }) : () -> ()
    %mul3A_10 = arith.constant 640 : i32
    %mul3A_11 = arith.muli %arg1, %mul3A_10 : i32
    %add3A_12 = arith.constant 128 : i32
    %add3A_13 = arith.addi %mul3A_11, %add3A_12 : i32
    "tpu.region"() ({
      %run_scoped3A = tpu.sem_alloc : memref<!tpu.dma_semaphore, #tpu.memory_space<semaphore_mem>>
      %dma_start3A = arith.constant 0 : i32
      %dma_start3A_50 = tpu.memref_slice %arg11[%add3A_13, %dma_start3A] : memref<10240x128xf32, #tpu.memory_space<vmem_shared>> -> memref<128x128xf32, #tpu.memory_space<vmem_shared>>
      %dma_start3A_51 = arith.constant 0 : i32
      %dma_start3A_52 = tpu.memref_slice %arg11[%add3A_13, %dma_start3A_51] : memref<10240x128xf32, #tpu.memory_space<vmem_shared>> -> memref<128x128xf32, #tpu.memory_space<vmem_shared>>
      tpu.enqueue_dma source(%arg10 : memref<128x128xf32, #tpu.memory_space<vmem>>) target(%dma_start3A_52 : memref<128x128xf32, #tpu.memory_space<vmem_shared>>) target_semaphore(%run_scoped3A : memref<!tpu.dma_semaphore, #tpu.memory_space<semaphore_mem>>)
      %dma_wait3A = arith.constant 0 : i32
      %dma_wait3A_53 = tpu.memref_slice %arg11[%add3A_13, %dma_wait3A] : memref<10240x128xf32, #tpu.memory_space<vmem_shared>> -> memref<128x128xf32, #tpu.memory_space<vmem_shared>>
      %dma_wait3A_54 = arith.constant 0 : i32
      %dma_wait3A_55 = tpu.memref_slice %arg11[%add3A_13, %dma_wait3A_54] : memref<10240x128xf32, #tpu.memory_space<vmem_shared>> -> memref<128x128xf32, #tpu.memory_space<vmem_shared>>
      tpu.wait_dma2 semaphore(%run_scoped3A : memref<!tpu.dma_semaphore, #tpu.memory_space<semaphore_mem>>) src(%arg10 : memref<128x128xf32, #tpu.memory_space<vmem>>) dst(%dma_wait3A_55 : memref<128x128xf32, #tpu.memory_space<vmem_shared>>)
      tpu.yield
    }) : () -> ()
    %mul3A_14 = arith.constant 640 : i32
    %mul3A_15 = arith.muli %arg1, %mul3A_14 : i32
    %add3A_16 = arith.constant 256 : i32
    %add3A_17 = arith.addi %mul3A_15, %add3A_16 : i32
    "tpu.region"() ({
      %run_scoped3A = tpu.sem_alloc : memref<!tpu.dma_semaphore, #tpu.memory_space<semaphore_mem>>
      %dma_start3A = arith.constant 0 : i32
      %dma_start3A_50 = tpu.memref_slice %arg11[%add3A_17, %dma_start3A] : memref<10240x128xf32, #tpu.memory_space<vmem_shared>> -> memref<128x128xf32, #tpu.memory_space<vmem_shared>>
      %dma_start3A_51 = arith.constant 0 : i32
      %dma_start3A_52 = tpu.memref_slice %arg11[%add3A_17, %dma_start3A_51] : memref<10240x128xf32, #tpu.memory_space<vmem_shared>> -> memref<128x128xf32, #tpu.memory_space<vmem_shared>>
      tpu.enqueue_dma source(%arg10 : memref<128x128xf32, #tpu.memory_space<vmem>>) target(%dma_start3A_52 : memref<128x128xf32, #tpu.memory_space<vmem_shared>>) target_semaphore(%run_scoped3A : memref<!tpu.dma_semaphore, #tpu.memory_space<semaphore_mem>>)
      %dma_wait3A = arith.constant 0 : i32
      %dma_wait3A_53 = tpu.memref_slice %arg11[%add3A_17, %dma_wait3A] : memref<10240x128xf32, #tpu.memory_space<vmem_shared>> -> memref<128x128xf32, #tpu.memory_space<vmem_shared>>
      %dma_wait3A_54 = arith.constant 0 : i32
      %dma_wait3A_55 = tpu.memref_slice %arg11[%add3A_17, %dma_wait3A_54] : memref<10240x128xf32, #tpu.memory_space<vmem_shared>> -> memref<128x128xf32, #tpu.memory_space<vmem_shared>>
      tpu.wait_dma2 semaphore(%run_scoped3A : memref<!tpu.dma_semaphore, #tpu.memory_space<semaphore_mem>>) src(%arg10 : memref<128x128xf32, #tpu.memory_space<vmem>>) dst(%dma_wait3A_55 : memref<128x128xf32, #tpu.memory_space<vmem_shared>>)
      tpu.yield
    }) : () -> ()
    %mul3A_18 = arith.constant 640 : i32
    %mul3A_19 = arith.muli %arg1, %mul3A_18 : i32
    %add3A_20 = arith.constant 384 : i32
    %add3A_21 = arith.addi %mul3A_19, %add3A_20 : i32
    "tpu.region"() ({
      %run_scoped3A = tpu.sem_alloc : memref<!tpu.dma_semaphore, #tpu.memory_space<semaphore_mem>>
      %dma_start3A = arith.constant 0 : i32
      %dma_start3A_50 = tpu.memref_slice %arg11[%add3A_21, %dma_start3A] : memref<10240x128xf32, #tpu.memory_space<vmem_shared>> -> memref<128x128xf32, #tpu.memory_space<vmem_shared>>
      %dma_start3A_51 = arith.constant 0 : i32
      %dma_start3A_52 = tpu.memref_slice %arg11[%add3A_21, %dma_start3A_51] : memref<10240x128xf32, #tpu.memory_space<vmem_shared>> -> memref<128x128xf32, #tpu.memory_space<vmem_shared>>
      tpu.enqueue_dma source(%arg10 : memref<128x128xf32, #tpu.memory_space<vmem>>) target(%dma_start3A_52 : memref<128x128xf32, #tpu.memory_space<vmem_shared>>) target_semaphore(%run_scoped3A : memref<!tpu.dma_semaphore, #tpu.memory_space<semaphore_mem>>)
      %dma_wait3A = arith.constant 0 : i32
      %dma_wait3A_53 = tpu.memref_slice %arg11[%add3A_21, %dma_wait3A] : memref<10240x128xf32, #tpu.memory_space<vmem_shared>> -> memref<128x128xf32, #tpu.memory_space<vmem_shared>>
      %dma_wait3A_54 = arith.constant 0 : i32
      %dma_wait3A_55 = tpu.memref_slice %arg11[%add3A_21, %dma_wait3A_54] : memref<10240x128xf32, #tpu.memory_space<vmem_shared>> -> memref<128x128xf32, #tpu.memory_space<vmem_shared>>
      tpu.wait_dma2 semaphore(%run_scoped3A : memref<!tpu.dma_semaphore, #tpu.memory_space<semaphore_mem>>) src(%arg10 : memref<128x128xf32, #tpu.memory_space<vmem>>) dst(%dma_wait3A_55 : memref<128x128xf32, #tpu.memory_space<vmem_shared>>)
      tpu.yield
    }) : () -> ()
    %mul3A_22 = arith.constant 640 : i32
    %mul3A_23 = arith.muli %arg1, %mul3A_22 : i32
    %add3A_24 = arith.constant 512 : i32
    %add3A_25 = arith.addi %mul3A_23, %add3A_24 : i32
    "tpu.region"() ({
      %run_scoped3A = tpu.sem_alloc : memref<!tpu.dma_semaphore, #tpu.memory_space<semaphore_mem>>
      %dma_start3A = arith.constant 0 : i32
      %dma_start3A_50 = tpu.memref_slice %arg11[%add3A_25, %dma_start3A] : memref<10240x128xf32, #tpu.memory_space<vmem_shared>> -> memref<128x128xf32, #tpu.memory_space<vmem_shared>>
      %dma_start3A_51 = arith.constant 0 : i32
      %dma_start3A_52 = tpu.memref_slice %arg11[%add3A_25, %dma_start3A_51] : memref<10240x128xf32, #tpu.memory_space<vmem_shared>> -> memref<128x128xf32, #tpu.memory_space<vmem_shared>>
      tpu.enqueue_dma source(%arg10 : memref<128x128xf32, #tpu.memory_space<vmem>>) target(%dma_start3A_52 : memref<128x128xf32, #tpu.memory_space<vmem_shared>>) target_semaphore(%run_scoped3A : memref<!tpu.dma_semaphore, #tpu.memory_space<semaphore_mem>>)
      %dma_wait3A = arith.constant 0 : i32
      %dma_wait3A_53 = tpu.memref_slice %arg11[%add3A_25, %dma_wait3A] : memref<10240x128xf32, #tpu.memory_space<vmem_shared>> -> memref<128x128xf32, #tpu.memory_space<vmem_shared>>
      %dma_wait3A_54 = arith.constant 0 : i32
      %dma_wait3A_55 = tpu.memref_slice %arg11[%add3A_25, %dma_wait3A_54] : memref<10240x128xf32, #tpu.memory_space<vmem_shared>> -> memref<128x128xf32, #tpu.memory_space<vmem_shared>>
      tpu.wait_dma2 semaphore(%run_scoped3A : memref<!tpu.dma_semaphore, #tpu.memory_space<semaphore_mem>>) src(%arg10 : memref<128x128xf32, #tpu.memory_space<vmem>>) dst(%dma_wait3A_55 : memref<128x128xf32, #tpu.memory_space<vmem_shared>>)
      tpu.yield
    }) : () -> ()
    %barrier3A = arith.constant 0 : index
    tpu.barrier barrier_id(%barrier3A)
    %eq3A_26 = arith.constant 0 : i32
    %eq3A_27 = arith.cmpi eq, %arg0, %eq3A_26 : i32
    %convert_element_type3A = arith.extui %eq3A_27 : i1 to i32
    %cond3A = arith.constant 0 : i32
    %cond3A_28 = arith.cmpi ne, %convert_element_type3A, %cond3A : i32
    scf.if %cond3A_28 {
      "tpu.region"() ({
        %run_scoped3A = tpu.sem_alloc : memref<!tpu.dma_semaphore, #tpu.memory_space<semaphore_mem>>
        %dma_start3A = arith.constant 0 : i32
        %dma_start3A_50 = arith.constant 0 : i32
        %dma_start3A_51 = tpu.memref_slice %arg3[%arg1, %dma_start3A, %dma_start3A_50] : memref<16x90x128xi32, #tpu.memory_space<hbm>> -> memref<1x90x128xi32, #tpu.memory_space<hbm>>
        %dma_start3A_52 = tpu.memref_squeeze %dma_start3A_51 : memref<1x90x128xi32, #tpu.memory_space<hbm>> -> memref<90x128xi32, #tpu.memory_space<hbm>>
        %dma_start3A_53 = arith.constant 0 : i32
        %dma_start3A_54 = arith.constant 0 : i32
        %dma_start3A_55 = tpu.memref_slice %arg3[%arg1, %dma_start3A_53, %dma_start3A_54] : memref<16x90x128xi32, #tpu.memory_space<hbm>> -> memref<1x90x128xi32, #tpu.memory_space<hbm>>
        %dma_start3A_56 = tpu.memref_squeeze %dma_start3A_55 : memref<1x90x128xi32, #tpu.memory_space<hbm>> -> memref<90x128xi32, #tpu.memory_space<hbm>>
        tpu.enqueue_dma source(%dma_start3A_56 : memref<90x128xi32, #tpu.memory_space<hbm>>) target(%arg8 : memref<90x128xi32, #tpu.memory_space<vmem>>) target_semaphore(%run_scoped3A : memref<!tpu.dma_semaphore, #tpu.memory_space<semaphore_mem>>)
        %dma_wait3A = arith.constant 0 : i32
        %dma_wait3A_57 = arith.constant 0 : i32
        %dma_wait3A_58 = tpu.memref_slice %arg3[%arg1, %dma_wait3A, %dma_wait3A_57] : memref<16x90x128xi32, #tpu.memory_space<hbm>> -> memref<1x90x128xi32, #tpu.memory_space<hbm>>
        %dma_wait3A_59 = tpu.memref_squeeze %dma_wait3A_58 : memref<1x90x128xi32, #tpu.memory_space<hbm>> -> memref<90x128xi32, #tpu.memory_space<hbm>>
        %dma_wait3A_60 = arith.constant 0 : i32
        %dma_wait3A_61 = arith.constant 0 : i32
        %dma_wait3A_62 = tpu.memref_slice %arg3[%arg1, %dma_wait3A_60, %dma_wait3A_61] : memref<16x90x128xi32, #tpu.memory_space<hbm>> -> memref<1x90x128xi32, #tpu.memory_space<hbm>>
        %dma_wait3A_63 = tpu.memref_squeeze %dma_wait3A_62 : memref<1x90x128xi32, #tpu.memory_space<hbm>> -> memref<90x128xi32, #tpu.memory_space<hbm>>
        tpu.wait_dma2 semaphore(%run_scoped3A : memref<!tpu.dma_semaphore, #tpu.memory_space<semaphore_mem>>) src(%dma_wait3A_63 : memref<90x128xi32, #tpu.memory_space<hbm>>) dst(%arg8 : memref<90x128xi32, #tpu.memory_space<vmem>>)
        tpu.yield
      }) : () -> ()
      "tpu.region"() ({
        %run_scoped3A = tpu.sem_alloc : memref<!tpu.dma_semaphore, #tpu.memory_space<semaphore_mem>>
        %dma_start3A = arith.constant 0 : i32
        %dma_start3A_50 = arith.constant 0 : i32
        %dma_start3A_51 = tpu.memref_slice %arg5[%arg1, %dma_start3A, %dma_start3A_50] : memref<16x90x128xi32, #tpu.memory_space<hbm>> -> memref<1x90x128xi32, #tpu.memory_space<hbm>>
        %dma_start3A_52 = tpu.memref_squeeze %dma_start3A_51 : memref<1x90x128xi32, #tpu.memory_space<hbm>> -> memref<90x128xi32, #tpu.memory_space<hbm>>
        %dma_start3A_53 = arith.constant 0 : i32
        %dma_start3A_54 = arith.constant 0 : i32
        %dma_start3A_55 = tpu.memref_slice %arg5[%arg1, %dma_start3A_53, %dma_start3A_54] : memref<16x90x128xi32, #tpu.memory_space<hbm>> -> memref<1x90x128xi32, #tpu.memory_space<hbm>>
        %dma_start3A_56 = tpu.memref_squeeze %dma_start3A_55 : memref<1x90x128xi32, #tpu.memory_space<hbm>> -> memref<90x128xi32, #tpu.memory_space<hbm>>
        tpu.enqueue_dma source(%dma_start3A_56 : memref<90x128xi32, #tpu.memory_space<hbm>>) target(%arg9 : memref<90x128xi32, #tpu.memory_space<vmem>>) target_semaphore(%run_scoped3A : memref<!tpu.dma_semaphore, #tpu.memory_space<semaphore_mem>>)
        %dma_wait3A = arith.constant 0 : i32
        %dma_wait3A_57 = arith.constant 0 : i32
        %dma_wait3A_58 = tpu.memref_slice %arg5[%arg1, %dma_wait3A, %dma_wait3A_57] : memref<16x90x128xi32, #tpu.memory_space<hbm>> -> memref<1x90x128xi32, #tpu.memory_space<hbm>>
        %dma_wait3A_59 = tpu.memref_squeeze %dma_wait3A_58 : memref<1x90x128xi32, #tpu.memory_space<hbm>> -> memref<90x128xi32, #tpu.memory_space<hbm>>
        %dma_wait3A_60 = arith.constant 0 : i32
        %dma_wait3A_61 = arith.constant 0 : i32
        %dma_wait3A_62 = tpu.memref_slice %arg5[%arg1, %dma_wait3A_60, %dma_wait3A_61] : memref<16x90x128xi32, #tpu.memory_space<hbm>> -> memref<1x90x128xi32, #tpu.memory_space<hbm>>
        %dma_wait3A_63 = tpu.memref_squeeze %dma_wait3A_62 : memref<1x90x128xi32, #tpu.memory_space<hbm>> -> memref<90x128xi32, #tpu.memory_space<hbm>>
        tpu.wait_dma2 semaphore(%run_scoped3A : memref<!tpu.dma_semaphore, #tpu.memory_space<semaphore_mem>>) src(%dma_wait3A_63 : memref<90x128xi32, #tpu.memory_space<hbm>>) dst(%arg9 : memref<90x128xi32, #tpu.memory_space<vmem>>)
        tpu.yield
      }) : () -> ()
    } else {
    }
    %eq3A_29 = arith.constant 1 : i32
    %eq3A_30 = arith.cmpi eq, %arg0, %eq3A_29 : i32
    %convert_element_type3A_31 = arith.extui %eq3A_30 : i1 to i32
    %cond3A_32 = arith.constant 0 : i32
    %cond3A_33 = arith.cmpi ne, %convert_element_type3A_31, %cond3A_32 : i32
    scf.if %cond3A_33 {
      "tpu.region"() ({
        %run_scoped3A = tpu.sem_alloc : memref<!tpu.dma_semaphore, #tpu.memory_space<semaphore_mem>>
        %dma_start3A = arith.constant 0 : i32
        %dma_start3A_50 = arith.constant 0 : i32
        %dma_start3A_51 = tpu.memref_slice %arg8[%dma_start3A, %dma_start3A_50] : memref<90x128xi32, #tpu.memory_space<vmem>> -> memref<67x128xi32, #tpu.memory_space<vmem>>
        %dma_start3A_52 = arith.constant 0 : i32
        %dma_start3A_53 = arith.constant 0 : i32
        %dma_start3A_54 = tpu.memref_slice %arg4[%arg1, %dma_start3A_52, %dma_start3A_53] : memref<16x67x128xi32, #tpu.memory_space<hbm>> -> memref<1x67x128xi32, #tpu.memory_space<hbm>>
        %dma_start3A_55 = tpu.memref_squeeze %dma_start3A_54 : memref<1x67x128xi32, #tpu.memory_space<hbm>> -> memref<67x128xi32, #tpu.memory_space<hbm>>
        %dma_start3A_56 = arith.constant 0 : i32
        %dma_start3A_57 = arith.constant 0 : i32
        %dma_start3A_58 = tpu.memref_slice %arg8[%dma_start3A_56, %dma_start3A_57] : memref<90x128xi32, #tpu.memory_space<vmem>> -> memref<67x128xi32, #tpu.memory_space<vmem>>
        %dma_start3A_59 = arith.constant 0 : i32
        %dma_start3A_60 = arith.constant 0 : i32
        %dma_start3A_61 = tpu.memref_slice %arg4[%arg1, %dma_start3A_59, %dma_start3A_60] : memref<16x67x128xi32, #tpu.memory_space<hbm>> -> memref<1x67x128xi32, #tpu.memory_space<hbm>>
        %dma_start3A_62 = tpu.memref_squeeze %dma_start3A_61 : memref<1x67x128xi32, #tpu.memory_space<hbm>> -> memref<67x128xi32, #tpu.memory_space<hbm>>
        tpu.enqueue_dma source(%dma_start3A_62 : memref<67x128xi32, #tpu.memory_space<hbm>>) target(%dma_start3A_58 : memref<67x128xi32, #tpu.memory_space<vmem>>) target_semaphore(%run_scoped3A : memref<!tpu.dma_semaphore, #tpu.memory_space<semaphore_mem>>)
        %dma_wait3A = arith.constant 0 : i32
        %dma_wait3A_63 = arith.constant 0 : i32
        %dma_wait3A_64 = tpu.memref_slice %arg8[%dma_wait3A, %dma_wait3A_63] : memref<90x128xi32, #tpu.memory_space<vmem>> -> memref<67x128xi32, #tpu.memory_space<vmem>>
        %dma_wait3A_65 = arith.constant 0 : i32
        %dma_wait3A_66 = arith.constant 0 : i32
        %dma_wait3A_67 = tpu.memref_slice %arg4[%arg1, %dma_wait3A_65, %dma_wait3A_66] : memref<16x67x128xi32, #tpu.memory_space<hbm>> -> memref<1x67x128xi32, #tpu.memory_space<hbm>>
        %dma_wait3A_68 = tpu.memref_squeeze %dma_wait3A_67 : memref<1x67x128xi32, #tpu.memory_space<hbm>> -> memref<67x128xi32, #tpu.memory_space<hbm>>
        %dma_wait3A_69 = arith.constant 0 : i32
        %dma_wait3A_70 = arith.constant 0 : i32
        %dma_wait3A_71 = tpu.memref_slice %arg8[%dma_wait3A_69, %dma_wait3A_70] : memref<90x128xi32, #tpu.memory_space<vmem>> -> memref<67x128xi32, #tpu.memory_space<vmem>>
        %dma_wait3A_72 = arith.constant 0 : i32
        %dma_wait3A_73 = arith.constant 0 : i32
        %dma_wait3A_74 = tpu.memref_slice %arg4[%arg1, %dma_wait3A_72, %dma_wait3A_73] : memref<16x67x128xi32, #tpu.memory_space<hbm>> -> memref<1x67x128xi32, #tpu.memory_space<hbm>>
        %dma_wait3A_75 = tpu.memref_squeeze %dma_wait3A_74 : memref<1x67x128xi32, #tpu.memory_space<hbm>> -> memref<67x128xi32, #tpu.memory_space<hbm>>
        tpu.wait_dma2 semaphore(%run_scoped3A : memref<!tpu.dma_semaphore, #tpu.memory_space<semaphore_mem>>) src(%dma_wait3A_75 : memref<67x128xi32, #tpu.memory_space<hbm>>) dst(%dma_wait3A_71 : memref<67x128xi32, #tpu.memory_space<vmem>>)
        tpu.yield
      }) : () -> ()
      "tpu.region"() ({
        %run_scoped3A = tpu.sem_alloc : memref<!tpu.dma_semaphore, #tpu.memory_space<semaphore_mem>>
        %dma_start3A = arith.constant 0 : i32
        %dma_start3A_50 = arith.constant 0 : i32
        %dma_start3A_51 = tpu.memref_slice %arg9[%dma_start3A, %dma_start3A_50] : memref<90x128xi32, #tpu.memory_space<vmem>> -> memref<67x128xi32, #tpu.memory_space<vmem>>
        %dma_start3A_52 = arith.constant 0 : i32
        %dma_start3A_53 = arith.constant 0 : i32
        %dma_start3A_54 = tpu.memref_slice %arg6[%arg1, %dma_start3A_52, %dma_start3A_53] : memref<16x67x128xi32, #tpu.memory_space<hbm>> -> memref<1x67x128xi32, #tpu.memory_space<hbm>>
        %dma_start3A_55 = tpu.memref_squeeze %dma_start3A_54 : memref<1x67x128xi32, #tpu.memory_space<hbm>> -> memref<67x128xi32, #tpu.memory_space<hbm>>
        %dma_start3A_56 = arith.constant 0 : i32
        %dma_start3A_57 = arith.constant 0 : i32
        %dma_start3A_58 = tpu.memref_slice %arg9[%dma_start3A_56, %dma_start3A_57] : memref<90x128xi32, #tpu.memory_space<vmem>> -> memref<67x128xi32, #tpu.memory_space<vmem>>
        %dma_start3A_59 = arith.constant 0 : i32
        %dma_start3A_60 = arith.constant 0 : i32
        %dma_start3A_61 = tpu.memref_slice %arg6[%arg1, %dma_start3A_59, %dma_start3A_60] : memref<16x67x128xi32, #tpu.memory_space<hbm>> -> memref<1x67x128xi32, #tpu.memory_space<hbm>>
        %dma_start3A_62 = tpu.memref_squeeze %dma_start3A_61 : memref<1x67x128xi32, #tpu.memory_space<hbm>> -> memref<67x128xi32, #tpu.memory_space<hbm>>
        tpu.enqueue_dma source(%dma_start3A_62 : memref<67x128xi32, #tpu.memory_space<hbm>>) target(%dma_start3A_58 : memref<67x128xi32, #tpu.memory_space<vmem>>) target_semaphore(%run_scoped3A : memref<!tpu.dma_semaphore, #tpu.memory_space<semaphore_mem>>)
        %dma_wait3A = arith.constant 0 : i32
        %dma_wait3A_63 = arith.constant 0 : i32
        %dma_wait3A_64 = tpu.memref_slice %arg9[%dma_wait3A, %dma_wait3A_63] : memref<90x128xi32, #tpu.memory_space<vmem>> -> memref<67x128xi32, #tpu.memory_space<vmem>>
        %dma_wait3A_65 = arith.constant 0 : i32
        %dma_wait3A_66 = arith.constant 0 : i32
        %dma_wait3A_67 = tpu.memref_slice %arg6[%arg1, %dma_wait3A_65, %dma_wait3A_66] : memref<16x67x128xi32, #tpu.memory_space<hbm>> -> memref<1x67x128xi32, #tpu.memory_space<hbm>>
        %dma_wait3A_68 = tpu.memref_squeeze %dma_wait3A_67 : memref<1x67x128xi32, #tpu.memory_space<hbm>> -> memref<67x128xi32, #tpu.memory_space<hbm>>
        %dma_wait3A_69 = arith.constant 0 : i32
        %dma_wait3A_70 = arith.constant 0 : i32
        %dma_wait3A_71 = tpu.memref_slice %arg9[%dma_wait3A_69, %dma_wait3A_70] : memref<90x128xi32, #tpu.memory_space<vmem>> -> memref<67x128xi32, #tpu.memory_space<vmem>>
        %dma_wait3A_72 = arith.constant 0 : i32
        %dma_wait3A_73 = arith.constant 0 : i32
        %dma_wait3A_74 = tpu.memref_slice %arg6[%arg1, %dma_wait3A_72, %dma_wait3A_73] : memref<16x67x128xi32, #tpu.memory_space<hbm>> -> memref<1x67x128xi32, #tpu.memory_space<hbm>>
        %dma_wait3A_75 = tpu.memref_squeeze %dma_wait3A_74 : memref<1x67x128xi32, #tpu.memory_space<hbm>> -> memref<67x128xi32, #tpu.memory_space<hbm>>
        tpu.wait_dma2 semaphore(%run_scoped3A : memref<!tpu.dma_semaphore, #tpu.memory_space<semaphore_mem>>) src(%dma_wait3A_75 : memref<67x128xi32, #tpu.memory_space<hbm>>) dst(%dma_wait3A_71 : memref<67x128xi32, #tpu.memory_space<vmem>>)
        tpu.yield
      }) : () -> ()
    } else {
    }
    %while3A = arith.constant 0 : i32
    %while3A_34 = arith.constant 0 : i32
    %while3A_35 = arith.subi %select_n3A, %while3A : i32
    %while3A_36 = arith.addi %while3A, %while3A_35 : i32
    %while3A_37 = arith.constant 1 : i32
    %while3A_38 = arith.divsi %while3A_35, %while3A_37 : i32
    %while3A_39 = arith.muli %while3A_38, %while3A_37 : i32
    %while3A_40 = arith.addi %while3A, %while3A_39 : i32
    %while3A_41 = arith.constant 1 : i32
    %while3A_42 = scf.for %while3A_50 = %while3A to %while3A_40 step %while3A_41 iter_args(%while3A_51 = %while3A_34) -> (i32)  : i32 {
      "tpu.region"() ({
        %run_scoped3A = tpu.sem_alloc : memref<!tpu.dma_semaphore, #tpu.memory_space<semaphore_mem>>
        %dma_start3A = arith.constant 0 : i32
        %dma_start3A_53 = tpu.memref_slice %arg8[%while3A_50, %dma_start3A] : memref<90x128xi32, #tpu.memory_space<vmem>> -> memref<1x128xi32, #tpu.memory_space<vmem>>
        %dma_start3A_54 = tpu.memref_squeeze %dma_start3A_53 : memref<1x128xi32, #tpu.memory_space<vmem>> -> memref<128xi32, #tpu.memory_space<vmem>>
        %dma_start3A_55 = arith.constant 0 : i32
        %dma_start3A_56 = arith.constant 0 : i32
        %dma_start3A_57 = tpu.memref_slice %arg2[%dma_start3A_55, %dma_start3A_56] : memref<10000x128xf32, #tpu.memory_space<hbm>> -> memref<10000x128xf32, #tpu.memory_space<hbm>>
        tpu.enqueue_indirect_dma source(%dma_start3A_57 : memref<10000x128xf32, #tpu.memory_space<hbm>>) target(%arg10 : memref<128x128xf32, #tpu.memory_space<vmem>>) offsets(%dma_start3A_54 : memref<128xi32, #tpu.memory_space<vmem>>) semaphore(%run_scoped3A : memref<!tpu.dma_semaphore, #tpu.memory_space<semaphore_mem>>)
        %dma_wait3A = arith.constant 0 : i32
        %dma_wait3A_58 = tpu.memref_slice %arg8[%while3A_50, %dma_wait3A] : memref<90x128xi32, #tpu.memory_space<vmem>> -> memref<1x128xi32, #tpu.memory_space<vmem>>
        %dma_wait3A_59 = tpu.memref_squeeze %dma_wait3A_58 : memref<1x128xi32, #tpu.memory_space<vmem>> -> memref<128xi32, #tpu.memory_space<vmem>>
        %dma_wait3A_60 = arith.constant 0 : i32
        %dma_wait3A_61 = arith.constant 0 : i32
        %dma_wait3A_62 = tpu.memref_slice %arg2[%dma_wait3A_60, %dma_wait3A_61] : memref<10000x128xf32, #tpu.memory_space<hbm>> -> memref<10000x128xf32, #tpu.memory_space<hbm>>
        tpu.wait_indirect_dma semaphore(%run_scoped3A : memref<!tpu.dma_semaphore, #tpu.memory_space<semaphore_mem>>) src(%dma_wait3A_62 : memref<10000x128xf32, #tpu.memory_space<hbm>>) dst(%arg10 : memref<128x128xf32, #tpu.memory_space<vmem>>)
        tpu.yield
      }) : () -> ()
      "tpu.region"() ({
        %run_scoped3A = tpu.sem_alloc : memref<!tpu.dma_semaphore, #tpu.memory_space<semaphore_mem>>
        %dma_start3A = arith.constant 0 : i32
        %dma_start3A_53 = tpu.memref_slice %arg9[%while3A_50, %dma_start3A] : memref<90x128xi32, #tpu.memory_space<vmem>> -> memref<1x128xi32, #tpu.memory_space<vmem>>
        %dma_start3A_54 = tpu.memref_squeeze %dma_start3A_53 : memref<1x128xi32, #tpu.memory_space<vmem>> -> memref<128xi32, #tpu.memory_space<vmem>>
        %dma_start3A_55 = arith.constant 0 : i32
        %dma_start3A_56 = arith.constant 0 : i32
        %dma_start3A_57 = tpu.memref_slice %arg11[%dma_start3A_55, %dma_start3A_56] : memref<10240x128xf32, #tpu.memory_space<vmem_shared>> -> memref<10240x128xf32, #tpu.memory_space<vmem_shared>>
        tpu.enqueue_indirect_dma source(%arg10 : memref<128x128xf32, #tpu.memory_space<vmem>>) target(%dma_start3A_57 : memref<10240x128xf32, #tpu.memory_space<vmem_shared>>) offsets(%dma_start3A_54 : memref<128xi32, #tpu.memory_space<vmem>>) semaphore(%run_scoped3A : memref<!tpu.dma_semaphore, #tpu.memory_space<semaphore_mem>>) {add = true}
        %dma_wait3A = arith.constant 0 : i32
        %dma_wait3A_58 = tpu.memref_slice %arg9[%while3A_50, %dma_wait3A] : memref<90x128xi32, #tpu.memory_space<vmem>> -> memref<1x128xi32, #tpu.memory_space<vmem>>
        %dma_wait3A_59 = tpu.memref_squeeze %dma_wait3A_58 : memref<1x128xi32, #tpu.memory_space<vmem>> -> memref<128xi32, #tpu.memory_space<vmem>>
        %dma_wait3A_60 = arith.constant 0 : i32
        %dma_wait3A_61 = arith.constant 0 : i32
        %dma_wait3A_62 = tpu.memref_slice %arg11[%dma_wait3A_60, %dma_wait3A_61] : memref<10240x128xf32, #tpu.memory_space<vmem_shared>> -> memref<10240x128xf32, #tpu.memory_space<vmem_shared>>
        tpu.wait_indirect_dma semaphore(%run_scoped3A : memref<!tpu.dma_semaphore, #tpu.memory_space<semaphore_mem>>) src(%arg10 : memref<128x128xf32, #tpu.memory_space<vmem>>) dst(%dma_wait3A_62 : memref<10240x128xf32, #tpu.memory_space<vmem_shared>>)
        tpu.yield
      }) : () -> ()
      %while3A_52 = arith.constant 0 : i32
      scf.yield %while3A_52 : i32
    }
    %while3A_43 = arith.constant 1 : i32
    %while3A_44 = scf.for %while3A_50 = %while3A_40 to %while3A_36 step %while3A_43 iter_args(%while3A_51 = %while3A_42) -> (i32)  : i32 {
      "tpu.region"() ({
        %run_scoped3A = tpu.sem_alloc : memref<!tpu.dma_semaphore, #tpu.memory_space<semaphore_mem>>
        %dma_start3A = arith.constant 0 : i32
        %dma_start3A_53 = tpu.memref_slice %arg8[%while3A_50, %dma_start3A] : memref<90x128xi32, #tpu.memory_space<vmem>> -> memref<1x128xi32, #tpu.memory_space<vmem>>
        %dma_start3A_54 = tpu.memref_squeeze %dma_start3A_53 : memref<1x128xi32, #tpu.memory_space<vmem>> -> memref<128xi32, #tpu.memory_space<vmem>>
        %dma_start3A_55 = arith.constant 0 : i32
        %dma_start3A_56 = arith.constant 0 : i32
        %dma_start3A_57 = tpu.memref_slice %arg2[%dma_start3A_55, %dma_start3A_56] : memref<10000x128xf32, #tpu.memory_space<hbm>> -> memref<10000x128xf32, #tpu.memory_space<hbm>>
        tpu.enqueue_indirect_dma source(%dma_start3A_57 : memref<10000x128xf32, #tpu.memory_space<hbm>>) target(%arg10 : memref<128x128xf32, #tpu.memory_space<vmem>>) offsets(%dma_start3A_54 : memref<128xi32, #tpu.memory_space<vmem>>) semaphore(%run_scoped3A : memref<!tpu.dma_semaphore, #tpu.memory_space<semaphore_mem>>)
        %dma_wait3A = arith.constant 0 : i32
        %dma_wait3A_58 = tpu.memref_slice %arg8[%while3A_50, %dma_wait3A] : memref<90x128xi32, #tpu.memory_space<vmem>> -> memref<1x128xi32, #tpu.memory_space<vmem>>
        %dma_wait3A_59 = tpu.memref_squeeze %dma_wait3A_58 : memref<1x128xi32, #tpu.memory_space<vmem>> -> memref<128xi32, #tpu.memory_space<vmem>>
        %dma_wait3A_60 = arith.constant 0 : i32
        %dma_wait3A_61 = arith.constant 0 : i32
        %dma_wait3A_62 = tpu.memref_slice %arg2[%dma_wait3A_60, %dma_wait3A_61] : memref<10000x128xf32, #tpu.memory_space<hbm>> -> memref<10000x128xf32, #tpu.memory_space<hbm>>
        tpu.wait_indirect_dma semaphore(%run_scoped3A : memref<!tpu.dma_semaphore, #tpu.memory_space<semaphore_mem>>) src(%dma_wait3A_62 : memref<10000x128xf32, #tpu.memory_space<hbm>>) dst(%arg10 : memref<128x128xf32, #tpu.memory_space<vmem>>)
        tpu.yield
      }) : () -> ()
      "tpu.region"() ({
        %run_scoped3A = tpu.sem_alloc : memref<!tpu.dma_semaphore, #tpu.memory_space<semaphore_mem>>
        %dma_start3A = arith.constant 0 : i32
        %dma_start3A_53 = tpu.memref_slice %arg9[%while3A_50, %dma_start3A] : memref<90x128xi32, #tpu.memory_space<vmem>> -> memref<1x128xi32, #tpu.memory_space<vmem>>
        %dma_start3A_54 = tpu.memref_squeeze %dma_start3A_53 : memref<1x128xi32, #tpu.memory_space<vmem>> -> memref<128xi32, #tpu.memory_space<vmem>>
        %dma_start3A_55 = arith.constant 0 : i32
        %dma_start3A_56 = arith.constant 0 : i32
        %dma_start3A_57 = tpu.memref_slice %arg11[%dma_start3A_55, %dma_start3A_56] : memref<10240x128xf32, #tpu.memory_space<vmem_shared>> -> memref<10240x128xf32, #tpu.memory_space<vmem_shared>>
        tpu.enqueue_indirect_dma source(%arg10 : memref<128x128xf32, #tpu.memory_space<vmem>>) target(%dma_start3A_57 : memref<10240x128xf32, #tpu.memory_space<vmem_shared>>) offsets(%dma_start3A_54 : memref<128xi32, #tpu.memory_space<vmem>>) semaphore(%run_scoped3A : memref<!tpu.dma_semaphore, #tpu.memory_space<semaphore_mem>>) {add = true}
        %dma_wait3A = arith.constant 0 : i32
        %dma_wait3A_58 = tpu.memref_slice %arg9[%while3A_50, %dma_wait3A] : memref<90x128xi32, #tpu.memory_space<vmem>> -> memref<1x128xi32, #tpu.memory_space<vmem>>
        %dma_wait3A_59 = tpu.memref_squeeze %dma_wait3A_58 : memref<1x128xi32, #tpu.memory_space<vmem>> -> memref<128xi32, #tpu.memory_space<vmem>>
        %dma_wait3A_60 = arith.constant 0 : i32
        %dma_wait3A_61 = arith.constant 0 : i32
        %dma_wait3A_62 = tpu.memref_slice %arg11[%dma_wait3A_60, %dma_wait3A_61] : memref<10240x128xf32, #tpu.memory_space<vmem_shared>> -> memref<10240x128xf32, #tpu.memory_space<vmem_shared>>
        tpu.wait_indirect_dma semaphore(%run_scoped3A : memref<!tpu.dma_semaphore, #tpu.memory_space<semaphore_mem>>) src(%arg10 : memref<128x128xf32, #tpu.memory_space<vmem>>) dst(%dma_wait3A_62 : memref<10240x128xf32, #tpu.memory_space<vmem_shared>>)
        tpu.yield
      }) : () -> ()
      %while3A_52 = arith.constant 0 : i32
      scf.yield %while3A_52 : i32
    }
    %barrier3A_45 = arith.constant 0 : index
    tpu.barrier barrier_id(%barrier3A_45)
    %mul3A_46 = arith.constant 640 : i32
    %mul3A_47 = arith.muli %arg1, %mul3A_46 : i32
    %mul3A_48 = arith.constant 640 : i32
    %mul3A_49 = arith.muli %arg1, %mul3A_48 : i32
    "tpu.region"() ({
      %run_scoped3A = tpu.sem_alloc : memref<!tpu.dma_semaphore, #tpu.memory_space<semaphore_mem>>
      %dma_start3A = arith.constant 0 : i32
      %dma_start3A_50 = tpu.memref_slice %arg7[%arg0, %mul3A_49, %dma_start3A] : memref<2x10240x128xf32, #tpu.memory_space<hbm>> -> memref<1x640x128xf32, #tpu.memory_space<hbm>>
      %dma_start3A_51 = tpu.memref_squeeze %dma_start3A_50 : memref<1x640x128xf32, #tpu.memory_space<hbm>> -> memref<640x128xf32, #tpu.memory_space<hbm>>
      %dma_start3A_52 = arith.constant 0 : i32
      %dma_start3A_53 = tpu.memref_slice %arg11[%mul3A_47, %dma_start3A_52] : memref<10240x128xf32, #tpu.memory_space<vmem_shared>> -> memref<640x128xf32, #tpu.memory_space<vmem_shared>>
      tpu.enqueue_dma source(%dma_start3A_53 : memref<640x128xf32, #tpu.memory_space<vmem_shared>>) target(%dma_start3A_51 : memref<640x128xf32, #tpu.memory_space<hbm>>) target_semaphore(%run_scoped3A : memref<!tpu.dma_semaphore, #tpu.memory_space<semaphore_mem>>)
      %dma_wait3A = arith.constant 0 : i32
      %dma_wait3A_54 = tpu.memref_slice %arg7[%arg0, %mul3A_49, %dma_wait3A] : memref<2x10240x128xf32, #tpu.memory_space<hbm>> -> memref<1x640x128xf32, #tpu.memory_space<hbm>>
      %dma_wait3A_55 = tpu.memref_squeeze %dma_wait3A_54 : memref<1x640x128xf32, #tpu.memory_space<hbm>> -> memref<640x128xf32, #tpu.memory_space<hbm>>
      %dma_wait3A_56 = arith.constant 0 : i32
      %dma_wait3A_57 = tpu.memref_slice %arg11[%mul3A_47, %dma_wait3A_56] : memref<10240x128xf32, #tpu.memory_space<vmem_shared>> -> memref<640x128xf32, #tpu.memory_space<vmem_shared>>
      tpu.wait_dma2 semaphore(%run_scoped3A : memref<!tpu.dma_semaphore, #tpu.memory_space<semaphore_mem>>) src(%dma_wait3A_57 : memref<640x128xf32, #tpu.memory_space<vmem_shared>>) dst(%dma_wait3A_55 : memref<640x128xf32, #tpu.memory_space<hbm>>)
      tpu.yield
    }) : () -> ()
    return
  }
}

#map = affine_map<(d0, d1) -> (0, 0, 0)>
#map1 = affine_map<(d0, d1) -> (0, 0)>
module attributes {stable_mosaic.version = 14 : i64} {
  func.func @_deg_body(%arg0: i32, %arg1: i32, %arg2: memref<16x90x128xi32, #tpu.memory_space<hbm>>, %arg3: memref<16x67x128xi32, #tpu.memory_space<hbm>>, %arg4: memref<2x10240xf32, #tpu.memory_space<hbm>>, %arg5: memref<90x128xi32, #tpu.memory_space<vmem>>, %arg6: memref<128xf32, #tpu.memory_space<vmem>>, %arg7: memref<640xf32, #tpu.memory_space<vmem>>, %arg8: memref<10240xf32, #tpu.memory_space<vmem_shared>>) attributes {dimension_semantics = [#tpu.dimension_semantics<core_parallel>, #tpu.dimension_semantics<subcore_parallel>], iteration_bounds = array<i64: 2, 16>, scalar_prefetch = 0 : i64, scratch_operands = 4 : i64, tpu.core_type = #tpu.core_type<sc_vector_subcore>, window_params = [{transform_indices = #map}, {transform_indices = #map}, {transform_indices = #map1}]} {
    %eq3A = arith.constant 0 : i32
    %eq3A_0 = arith.cmpi eq, %arg0, %eq3A : i32
    %jit3A = arith.constant 90 : i32
    %jit3A_1 = arith.constant 67 : i32
    %select_n3A = arith.select %eq3A_0, %jit3A, %jit3A_1 : i32
    %scan3A = arith.constant 0 : i32
    %scan3A_2 = arith.constant 0 : i32
    %scan3A_3 = arith.constant 40 : i32
    %scan3A_4 = arith.addi %scan3A_2, %scan3A_3 : i32
    %scan3A_5 = arith.constant 1 : i32
    %scan3A_6 = scf.for %scan3A_40 = %scan3A_2 to %scan3A_4 step %scan3A_5 iter_args(%scan3A_41 = %scan3A) -> (i32)  : i32 {
      %broadcast_in_dim3A = arith.constant 0.000000e+00 : f32
      %broadcast_in_dim3A_42 = vector.broadcast %broadcast_in_dim3A : f32 to vector<16xf32>
      %mul3A_43 = arith.constant 16 : i32
      %mul3A_44 = arith.muli %scan3A_40, %mul3A_43 : i32
      %swap3A = arith.index_cast %mul3A_44 : i32 to index
      %swap3A_45 = tpu.vector_load %arg7[%swap3A] {strides = array<i32>} : memref<640xf32, #tpu.memory_space<vmem>>, vector<16xf32>,
      %swap3A_46 = vector.shape_cast %swap3A_45 : vector<16xf32> to vector<16xf32>
      %swap3A_47 = vector.shape_cast %broadcast_in_dim3A_42 : vector<16xf32> to vector<16xf32>
      tpu.vector_store %arg7[%swap3A], %swap3A_47 {strides = array<i32>} : memref<640xf32, #tpu.memory_space<vmem>>, vector<16xf32>,
      %scan3A_48 = arith.constant 0 : i32
      scf.yield %scan3A_48 : i32
    }
    %scan3A_7 = arith.constant 40 : i32
    %scan3A_8 = arith.constant 0 : i32
    %scan3A_9 = arith.constant 0 : i32
    %scan3A_10 = arith.constant 8 : i32
    %scan3A_11 = arith.addi %scan3A_9, %scan3A_10 : i32
    %scan3A_12 = arith.constant 1 : i32
    %scan3A_13 = scf.for %scan3A_40 = %scan3A_9 to %scan3A_11 step %scan3A_12 iter_args(%scan3A_41 = %scan3A_8) -> (i32)  : i32 {
      %broadcast_in_dim3A = arith.constant 1.000000e+00 : f32
      %broadcast_in_dim3A_42 = vector.broadcast %broadcast_in_dim3A : f32 to vector<16xf32>
      %mul3A_43 = arith.constant 16 : i32
      %mul3A_44 = arith.muli %scan3A_40, %mul3A_43 : i32
      %swap3A = arith.index_cast %mul3A_44 : i32 to index
      %swap3A_45 = tpu.vector_load %arg6[%swap3A] {strides = array<i32>} : memref<128xf32, #tpu.memory_space<vmem>>, vector<16xf32>,
      %swap3A_46 = vector.shape_cast %swap3A_45 : vector<16xf32> to vector<16xf32>
      %swap3A_47 = vector.shape_cast %broadcast_in_dim3A_42 : vector<16xf32> to vector<16xf32>
      tpu.vector_store %arg6[%swap3A], %swap3A_47 {strides = array<i32>} : memref<128xf32, #tpu.memory_space<vmem>>, vector<16xf32>,
      %scan3A_48 = arith.constant 0 : i32
      scf.yield %scan3A_48 : i32
    }
    %scan3A_14 = arith.constant 8 : i32
    %mul3A = arith.constant 640 : i32
    %mul3A_15 = arith.muli %arg1, %mul3A : i32
    "tpu.region"() ({
      %run_scoped3A = tpu.sem_alloc : memref<!tpu.dma_semaphore, #tpu.memory_space<semaphore_mem>>
      %dma_start3A = tpu.memref_slice %arg8[%mul3A_15] : memref<10240xf32, #tpu.memory_space<vmem_shared>> -> memref<640xf32, #tpu.memory_space<vmem_shared>>
      %dma_start3A_40 = tpu.memref_slice %arg8[%mul3A_15] : memref<10240xf32, #tpu.memory_space<vmem_shared>> -> memref<640xf32, #tpu.memory_space<vmem_shared>>
      tpu.enqueue_dma source(%arg7 : memref<640xf32, #tpu.memory_space<vmem>>) target(%dma_start3A_40 : memref<640xf32, #tpu.memory_space<vmem_shared>>) target_semaphore(%run_scoped3A : memref<!tpu.dma_semaphore, #tpu.memory_space<semaphore_mem>>)
      %dma_wait3A = tpu.memref_slice %arg8[%mul3A_15] : memref<10240xf32, #tpu.memory_space<vmem_shared>> -> memref<640xf32, #tpu.memory_space<vmem_shared>>
      %dma_wait3A_41 = tpu.memref_slice %arg8[%mul3A_15] : memref<10240xf32, #tpu.memory_space<vmem_shared>> -> memref<640xf32, #tpu.memory_space<vmem_shared>>
      tpu.wait_dma2 semaphore(%run_scoped3A : memref<!tpu.dma_semaphore, #tpu.memory_space<semaphore_mem>>) src(%arg7 : memref<640xf32, #tpu.memory_space<vmem>>) dst(%dma_wait3A_41 : memref<640xf32, #tpu.memory_space<vmem_shared>>)
      tpu.yield
    }) : () -> ()
    %barrier3A = arith.constant 0 : index
    tpu.barrier barrier_id(%barrier3A)
    %eq3A_16 = arith.constant 0 : i32
    %eq3A_17 = arith.cmpi eq, %arg0, %eq3A_16 : i32
    %convert_element_type3A = arith.extui %eq3A_17 : i1 to i32
    %cond3A = arith.constant 0 : i32
    %cond3A_18 = arith.cmpi ne, %convert_element_type3A, %cond3A : i32
    scf.if %cond3A_18 {
      "tpu.region"() ({
        %run_scoped3A = tpu.sem_alloc : memref<!tpu.dma_semaphore, #tpu.memory_space<semaphore_mem>>
        %dma_start3A = arith.constant 0 : i32
        %dma_start3A_40 = arith.constant 0 : i32
        %dma_start3A_41 = tpu.memref_slice %arg2[%arg1, %dma_start3A, %dma_start3A_40] : memref<16x90x128xi32, #tpu.memory_space<hbm>> -> memref<1x90x128xi32, #tpu.memory_space<hbm>>
        %dma_start3A_42 = tpu.memref_squeeze %dma_start3A_41 : memref<1x90x128xi32, #tpu.memory_space<hbm>> -> memref<90x128xi32, #tpu.memory_space<hbm>>
        %dma_start3A_43 = arith.constant 0 : i32
        %dma_start3A_44 = arith.constant 0 : i32
        %dma_start3A_45 = tpu.memref_slice %arg2[%arg1, %dma_start3A_43, %dma_start3A_44] : memref<16x90x128xi32, #tpu.memory_space<hbm>> -> memref<1x90x128xi32, #tpu.memory_space<hbm>>
        %dma_start3A_46 = tpu.memref_squeeze %dma_start3A_45 : memref<1x90x128xi32, #tpu.memory_space<hbm>> -> memref<90x128xi32, #tpu.memory_space<hbm>>
        tpu.enqueue_dma source(%dma_start3A_46 : memref<90x128xi32, #tpu.memory_space<hbm>>) target(%arg5 : memref<90x128xi32, #tpu.memory_space<vmem>>) target_semaphore(%run_scoped3A : memref<!tpu.dma_semaphore, #tpu.memory_space<semaphore_mem>>)
        %dma_wait3A = arith.constant 0 : i32
        %dma_wait3A_47 = arith.constant 0 : i32
        %dma_wait3A_48 = tpu.memref_slice %arg2[%arg1, %dma_wait3A, %dma_wait3A_47] : memref<16x90x128xi32, #tpu.memory_space<hbm>> -> memref<1x90x128xi32, #tpu.memory_space<hbm>>
        %dma_wait3A_49 = tpu.memref_squeeze %dma_wait3A_48 : memref<1x90x128xi32, #tpu.memory_space<hbm>> -> memref<90x128xi32, #tpu.memory_space<hbm>>
        %dma_wait3A_50 = arith.constant 0 : i32
        %dma_wait3A_51 = arith.constant 0 : i32
        %dma_wait3A_52 = tpu.memref_slice %arg2[%arg1, %dma_wait3A_50, %dma_wait3A_51] : memref<16x90x128xi32, #tpu.memory_space<hbm>> -> memref<1x90x128xi32, #tpu.memory_space<hbm>>
        %dma_wait3A_53 = tpu.memref_squeeze %dma_wait3A_52 : memref<1x90x128xi32, #tpu.memory_space<hbm>> -> memref<90x128xi32, #tpu.memory_space<hbm>>
        tpu.wait_dma2 semaphore(%run_scoped3A : memref<!tpu.dma_semaphore, #tpu.memory_space<semaphore_mem>>) src(%dma_wait3A_53 : memref<90x128xi32, #tpu.memory_space<hbm>>) dst(%arg5 : memref<90x128xi32, #tpu.memory_space<vmem>>)
        tpu.yield
      }) : () -> ()
    } else {
    }
    %eq3A_19 = arith.constant 1 : i32
    %eq3A_20 = arith.cmpi eq, %arg0, %eq3A_19 : i32
    %convert_element_type3A_21 = arith.extui %eq3A_20 : i1 to i32
    %cond3A_22 = arith.constant 0 : i32
    %cond3A_23 = arith.cmpi ne, %convert_element_type3A_21, %cond3A_22 : i32
    scf.if %cond3A_23 {
      "tpu.region"() ({
        %run_scoped3A = tpu.sem_alloc : memref<!tpu.dma_semaphore, #tpu.memory_space<semaphore_mem>>
        %dma_start3A = arith.constant 0 : i32
        %dma_start3A_40 = arith.constant 0 : i32
        %dma_start3A_41 = tpu.memref_slice %arg5[%dma_start3A, %dma_start3A_40] : memref<90x128xi32, #tpu.memory_space<vmem>> -> memref<67x128xi32, #tpu.memory_space<vmem>>
        %dma_start3A_42 = arith.constant 0 : i32
        %dma_start3A_43 = arith.constant 0 : i32
        %dma_start3A_44 = tpu.memref_slice %arg3[%arg1, %dma_start3A_42, %dma_start3A_43] : memref<16x67x128xi32, #tpu.memory_space<hbm>> -> memref<1x67x128xi32, #tpu.memory_space<hbm>>
        %dma_start3A_45 = tpu.memref_squeeze %dma_start3A_44 : memref<1x67x128xi32, #tpu.memory_space<hbm>> -> memref<67x128xi32, #tpu.memory_space<hbm>>
        %dma_start3A_46 = arith.constant 0 : i32
        %dma_start3A_47 = arith.constant 0 : i32
        %dma_start3A_48 = tpu.memref_slice %arg5[%dma_start3A_46, %dma_start3A_47] : memref<90x128xi32, #tpu.memory_space<vmem>> -> memref<67x128xi32, #tpu.memory_space<vmem>>
        %dma_start3A_49 = arith.constant 0 : i32
        %dma_start3A_50 = arith.constant 0 : i32
        %dma_start3A_51 = tpu.memref_slice %arg3[%arg1, %dma_start3A_49, %dma_start3A_50] : memref<16x67x128xi32, #tpu.memory_space<hbm>> -> memref<1x67x128xi32, #tpu.memory_space<hbm>>
        %dma_start3A_52 = tpu.memref_squeeze %dma_start3A_51 : memref<1x67x128xi32, #tpu.memory_space<hbm>> -> memref<67x128xi32, #tpu.memory_space<hbm>>
        tpu.enqueue_dma source(%dma_start3A_52 : memref<67x128xi32, #tpu.memory_space<hbm>>) target(%dma_start3A_48 : memref<67x128xi32, #tpu.memory_space<vmem>>) target_semaphore(%run_scoped3A : memref<!tpu.dma_semaphore, #tpu.memory_space<semaphore_mem>>)
        %dma_wait3A = arith.constant 0 : i32
        %dma_wait3A_53 = arith.constant 0 : i32
        %dma_wait3A_54 = tpu.memref_slice %arg5[%dma_wait3A, %dma_wait3A_53] : memref<90x128xi32, #tpu.memory_space<vmem>> -> memref<67x128xi32, #tpu.memory_space<vmem>>
        %dma_wait3A_55 = arith.constant 0 : i32
        %dma_wait3A_56 = arith.constant 0 : i32
        %dma_wait3A_57 = tpu.memref_slice %arg3[%arg1, %dma_wait3A_55, %dma_wait3A_56] : memref<16x67x128xi32, #tpu.memory_space<hbm>> -> memref<1x67x128xi32, #tpu.memory_space<hbm>>
        %dma_wait3A_58 = tpu.memref_squeeze %dma_wait3A_57 : memref<1x67x128xi32, #tpu.memory_space<hbm>> -> memref<67x128xi32, #tpu.memory_space<hbm>>
        %dma_wait3A_59 = arith.constant 0 : i32
        %dma_wait3A_60 = arith.constant 0 : i32
        %dma_wait3A_61 = tpu.memref_slice %arg5[%dma_wait3A_59, %dma_wait3A_60] : memref<90x128xi32, #tpu.memory_space<vmem>> -> memref<67x128xi32, #tpu.memory_space<vmem>>
        %dma_wait3A_62 = arith.constant 0 : i32
        %dma_wait3A_63 = arith.constant 0 : i32
        %dma_wait3A_64 = tpu.memref_slice %arg3[%arg1, %dma_wait3A_62, %dma_wait3A_63] : memref<16x67x128xi32, #tpu.memory_space<hbm>> -> memref<1x67x128xi32, #tpu.memory_space<hbm>>
        %dma_wait3A_65 = tpu.memref_squeeze %dma_wait3A_64 : memref<1x67x128xi32, #tpu.memory_space<hbm>> -> memref<67x128xi32, #tpu.memory_space<hbm>>
        tpu.wait_dma2 semaphore(%run_scoped3A : memref<!tpu.dma_semaphore, #tpu.memory_space<semaphore_mem>>) src(%dma_wait3A_65 : memref<67x128xi32, #tpu.memory_space<hbm>>) dst(%dma_wait3A_61 : memref<67x128xi32, #tpu.memory_space<vmem>>)
        tpu.yield
      }) : () -> ()
    } else {
    }
    %while3A = arith.constant 0 : i32
    %while3A_24 = arith.constant 0 : i32
    %while3A_25 = arith.subi %select_n3A, %while3A : i32
    %while3A_26 = arith.addi %while3A, %while3A_25 : i32
    %while3A_27 = arith.constant 1 : i32
    %while3A_28 = arith.divsi %while3A_25, %while3A_27 : i32
    %while3A_29 = arith.muli %while3A_28, %while3A_27 : i32
    %while3A_30 = arith.addi %while3A, %while3A_29 : i32
    %while3A_31 = arith.constant 1 : i32
    %while3A_32 = scf.for %while3A_40 = %while3A to %while3A_30 step %while3A_31 iter_args(%while3A_41 = %while3A_24) -> (i32)  : i32 {
      "tpu.region"() ({
        %run_scoped3A = tpu.sem_alloc : memref<!tpu.dma_semaphore, #tpu.memory_space<semaphore_mem>>
        %dma_start3A = arith.constant 0 : i32
        %dma_start3A_43 = tpu.memref_slice %arg5[%while3A_40, %dma_start3A] : memref<90x128xi32, #tpu.memory_space<vmem>> -> memref<1x128xi32, #tpu.memory_space<vmem>>
        %dma_start3A_44 = tpu.memref_squeeze %dma_start3A_43 : memref<1x128xi32, #tpu.memory_space<vmem>> -> memref<128xi32, #tpu.memory_space<vmem>>
        %dma_start3A_45 = arith.constant 0 : i32
        %dma_start3A_46 = tpu.memref_slice %arg8[%dma_start3A_45] : memref<10240xf32, #tpu.memory_space<vmem_shared>> -> memref<10240xf32, #tpu.memory_space<vmem_shared>>
        tpu.enqueue_indirect_dma source(%arg6 : memref<128xf32, #tpu.memory_space<vmem>>) target(%dma_start3A_46 : memref<10240xf32, #tpu.memory_space<vmem_shared>>) offsets(%dma_start3A_44 : memref<128xi32, #tpu.memory_space<vmem>>) semaphore(%run_scoped3A : memref<!tpu.dma_semaphore, #tpu.memory_space<semaphore_mem>>) {add = true}
        %dma_wait3A = arith.constant 0 : i32
        %dma_wait3A_47 = tpu.memref_slice %arg5[%while3A_40, %dma_wait3A] : memref<90x128xi32, #tpu.memory_space<vmem>> -> memref<1x128xi32, #tpu.memory_space<vmem>>
        %dma_wait3A_48 = tpu.memref_squeeze %dma_wait3A_47 : memref<1x128xi32, #tpu.memory_space<vmem>> -> memref<128xi32, #tpu.memory_space<vmem>>
        %dma_wait3A_49 = arith.constant 0 : i32
        %dma_wait3A_50 = tpu.memref_slice %arg8[%dma_wait3A_49] : memref<10240xf32, #tpu.memory_space<vmem_shared>> -> memref<10240xf32, #tpu.memory_space<vmem_shared>>
        tpu.wait_indirect_dma semaphore(%run_scoped3A : memref<!tpu.dma_semaphore, #tpu.memory_space<semaphore_mem>>) src(%arg6 : memref<128xf32, #tpu.memory_space<vmem>>) dst(%dma_wait3A_50 : memref<10240xf32, #tpu.memory_space<vmem_shared>>)
        tpu.yield
      }) : () -> ()
      %while3A_42 = arith.constant 0 : i32
      scf.yield %while3A_42 : i32
    }
    %while3A_33 = arith.constant 1 : i32
    %while3A_34 = scf.for %while3A_40 = %while3A_30 to %while3A_26 step %while3A_33 iter_args(%while3A_41 = %while3A_32) -> (i32)  : i32 {
      "tpu.region"() ({
        %run_scoped3A = tpu.sem_alloc : memref<!tpu.dma_semaphore, #tpu.memory_space<semaphore_mem>>
        %dma_start3A = arith.constant 0 : i32
        %dma_start3A_43 = tpu.memref_slice %arg5[%while3A_40, %dma_start3A] : memref<90x128xi32, #tpu.memory_space<vmem>> -> memref<1x128xi32, #tpu.memory_space<vmem>>
        %dma_start3A_44 = tpu.memref_squeeze %dma_start3A_43 : memref<1x128xi32, #tpu.memory_space<vmem>> -> memref<128xi32, #tpu.memory_space<vmem>>
        %dma_start3A_45 = arith.constant 0 : i32
        %dma_start3A_46 = tpu.memref_slice %arg8[%dma_start3A_45] : memref<10240xf32, #tpu.memory_space<vmem_shared>> -> memref<10240xf32, #tpu.memory_space<vmem_shared>>
        tpu.enqueue_indirect_dma source(%arg6 : memref<128xf32, #tpu.memory_space<vmem>>) target(%dma_start3A_46 : memref<10240xf32, #tpu.memory_space<vmem_shared>>) offsets(%dma_start3A_44 : memref<128xi32, #tpu.memory_space<vmem>>) semaphore(%run_scoped3A : memref<!tpu.dma_semaphore, #tpu.memory_space<semaphore_mem>>) {add = true}
        %dma_wait3A = arith.constant 0 : i32
        %dma_wait3A_47 = tpu.memref_slice %arg5[%while3A_40, %dma_wait3A] : memref<90x128xi32, #tpu.memory_space<vmem>> -> memref<1x128xi32, #tpu.memory_space<vmem>>
        %dma_wait3A_48 = tpu.memref_squeeze %dma_wait3A_47 : memref<1x128xi32, #tpu.memory_space<vmem>> -> memref<128xi32, #tpu.memory_space<vmem>>
        %dma_wait3A_49 = arith.constant 0 : i32
        %dma_wait3A_50 = tpu.memref_slice %arg8[%dma_wait3A_49] : memref<10240xf32, #tpu.memory_space<vmem_shared>> -> memref<10240xf32, #tpu.memory_space<vmem_shared>>
        tpu.wait_indirect_dma semaphore(%run_scoped3A : memref<!tpu.dma_semaphore, #tpu.memory_space<semaphore_mem>>) src(%arg6 : memref<128xf32, #tpu.memory_space<vmem>>) dst(%dma_wait3A_50 : memref<10240xf32, #tpu.memory_space<vmem_shared>>)
        tpu.yield
      }) : () -> ()
      %while3A_42 = arith.constant 0 : i32
      scf.yield %while3A_42 : i32
    }
    %barrier3A_35 = arith.constant 0 : index
    tpu.barrier barrier_id(%barrier3A_35)
    %mul3A_36 = arith.constant 640 : i32
    %mul3A_37 = arith.muli %arg1, %mul3A_36 : i32
    %mul3A_38 = arith.constant 640 : i32
    %mul3A_39 = arith.muli %arg1, %mul3A_38 : i32
    "tpu.region"() ({
      %run_scoped3A = tpu.sem_alloc : memref<!tpu.dma_semaphore, #tpu.memory_space<semaphore_mem>>
      %dma_start3A = tpu.memref_slice %arg4[%arg0, %mul3A_39] : memref<2x10240xf32, #tpu.memory_space<hbm>> -> memref<1x640xf32, #tpu.memory_space<hbm>>
      %dma_start3A_40 = tpu.memref_squeeze %dma_start3A : memref<1x640xf32, #tpu.memory_space<hbm>> -> memref<640xf32, #tpu.memory_space<hbm>>
      %dma_start3A_41 = tpu.memref_slice %arg8[%mul3A_37] : memref<10240xf32, #tpu.memory_space<vmem_shared>> -> memref<640xf32, #tpu.memory_space<vmem_shared>>
      tpu.enqueue_dma source(%dma_start3A_41 : memref<640xf32, #tpu.memory_space<vmem_shared>>) target(%dma_start3A_40 : memref<640xf32, #tpu.memory_space<hbm>>) target_semaphore(%run_scoped3A : memref<!tpu.dma_semaphore, #tpu.memory_space<semaphore_mem>>)
      %dma_wait3A = tpu.memref_slice %arg4[%arg0, %mul3A_39] : memref<2x10240xf32, #tpu.memory_space<hbm>> -> memref<1x640xf32, #tpu.memory_space<hbm>>
      %dma_wait3A_42 = tpu.memref_squeeze %dma_wait3A : memref<1x640xf32, #tpu.memory_space<hbm>> -> memref<640xf32, #tpu.memory_space<hbm>>
      %dma_wait3A_43 = tpu.memref_slice %arg8[%mul3A_37] : memref<10240xf32, #tpu.memory_space<vmem_shared>> -> memref<640xf32, #tpu.memory_space<vmem_shared>>
      tpu.wait_dma2 semaphore(%run_scoped3A : memref<!tpu.dma_semaphore, #tpu.memory_space<semaphore_mem>>) src(%dma_wait3A_43 : memref<640xf32, #tpu.memory_space<vmem_shared>>) dst(%dma_wait3A_42 : memref<640xf32, #tpu.memory_space<hbm>>)
      tpu.yield
    }) : () -> ()
    return
  }
}

module attributes {stable_mosaic.version = 14 : i64} {
  func.func @_tc1_body(%arg0: i32, %arg1: memref<2000x128xf32, #tpu.memory_space<vmem>>, %arg2: memref<128x128xf32, #tpu.memory_space<vmem>>, %arg3: memref<2x2000x1xf32, #tpu.memory_space<vmem>>, %arg4: memref<2000x128xf32, #tpu.memory_space<vmem>>) attributes {dimension_semantics = [#tpu.dimension_semantics<arbitrary>], iteration_bounds = array<i64: 5>, scalar_prefetch = 0 : i64, scratch_operands = 0 : i64, tpu.core_type = #tpu.core_type<tc>, window_params = [{transform_indices = @transform_0, window_bounds = array<i64: 2000, 128>}, {pipeline_mode = #tpu.pipeline_mode<synchronous>, transform_indices = @transform_1, window_bounds = array<i64: 128, 128>}, {transform_indices = @transform_2, window_bounds = array<i64: 2, 2000, 1>}, {transform_indices = @transform_3, window_bounds = array<i64: 2000, 128>}]} {
    %get3A = arith.constant 0 : index
    %get3A_0 = arith.constant 0 : index
    %get3A_1 = arith.constant 0 : index
    %get3A_2 = vector.load %arg3[%get3A, %get3A_0, %get3A_1] : memref<2x2000x1xf32, #tpu.memory_space<vmem>>, vector<1x2000x1xf32>
    %get3A_3 = vector.shape_cast %get3A_2 : vector<1x2000x1xf32> to vector<2000x1xf32>
    %get3A_4 = arith.constant 1 : index
    %get3A_5 = arith.constant 0 : index
    %get3A_6 = arith.constant 0 : index
    %get3A_7 = vector.load %arg3[%get3A_4, %get3A_5, %get3A_6] : memref<2x2000x1xf32, #tpu.memory_space<vmem>>, vector<1x2000x1xf32>
    %get3A_8 = vector.shape_cast %get3A_7 : vector<1x2000x1xf32> to vector<2000x1xf32>
    %add3A = arith.addf %get3A_3, %get3A_8 : vector<2000x1xf32>
    %add3A_9 = arith.constant 1.000000e+00 : f32
    %add3A_10 = vector.broadcast %add3A_9 : f32 to vector<2000x1xf32>
    %add3A_11 = arith.addf %add3A, %add3A_10 : vector<2000x1xf32>
    %rsqrt3A = math.rsqrt %add3A_11 : vector<2000x1xf32>
    %get3A_12 = arith.constant 0 : index
    %get3A_13 = arith.constant 0 : index
    %get3A_14 = vector.load %arg1[%get3A_12, %get3A_13] : memref<2000x128xf32, #tpu.memory_space<vmem>>, vector<2000x128xf32>
    %get3A_15 = arith.constant 0 : index
    %get3A_16 = arith.constant 0 : index
    %get3A_17 = vector.load %arg2[%get3A_15, %get3A_16] : memref<128x128xf32, #tpu.memory_space<vmem>>, vector<128x128xf32>
    %dot_general3A = arith.constant dense<0.000000e+00> : vector<2000x128xf32>
    %dot_general3A_18 = tpu.matmul %get3A_14, %get3A_17, %dot_general3A {dimension_numbers = #tpu.dot_dimension_numbers<[1], [1], [0], [0], [0, 0, 1, 0], [], []>, transpose_lhs_hint = false} : vector<2000x128xf32>, vector<128x128xf32>, vector<2000x128xf32> -> vector<2000x128xf32>
    %mul3A = vector.broadcast %rsqrt3A : vector<2000x1xf32> to vector<2000x128xf32>
    %mul3A_19 = arith.mulf %dot_general3A_18, %mul3A : vector<2000x128xf32>
    %swap3A = arith.constant 0 : index
    %swap3A_20 = arith.constant 0 : index
    %swap3A_21 = vector.load %arg4[%swap3A, %swap3A_20] : memref<2000x128xf32, #tpu.memory_space<vmem>>, vector<2000x128xf32>
    tpu.vector_store %arg4[%swap3A, %swap3A_20], %mul3A_19 {strides = array<i32>} : memref<2000x128xf32, #tpu.memory_space<vmem>>, vector<2000x128xf32>,
    return
  }
  func.func @transform_0(%arg0: i32) -> (i32, i32) {
    %c0_i32 = arith.constant 0 : i32
    %c0_i32_0 = arith.constant 0 : i32
    return %arg0, %c0_i32 : i32, i32
  }
  func.func @transform_1(%arg0: i32) -> (i32, i32) {
    %c0_i32 = arith.constant 0 : i32
    %c0_i32_0 = arith.constant 0 : i32
    %c0_i32_1 = arith.constant 0 : i32
    return %c0_i32, %c0_i32_0 : i32, i32
  }
  func.func @transform_2(%arg0: i32) -> (i32, i32, i32) {
    %c0_i32 = arith.constant 0 : i32
    %c0_i32_0 = arith.constant 0 : i32
    %c0_i32_1 = arith.constant 0 : i32
    return %c0_i32, %arg0, %c0_i32_0 : i32, i32, i32
  }
  func.func @transform_3(%arg0: i32) -> (i32, i32) {
    %c0_i32 = arith.constant 0 : i32
    %c0_i32_0 = arith.constant 0 : i32
    return %arg0, %c0_i32 : i32, i32
  }
}

module attributes {stable_mosaic.version = 14 : i64} {
  func.func @_tc2_body(%arg0: i32, %arg1: memref<2x2000x128xf32, #tpu.memory_space<vmem>>, %arg2: memref<2000x128xf32, #tpu.memory_space<vmem>>, %arg3: memref<2x2000x1xf32, #tpu.memory_space<vmem>>, %arg4: memref<1x128xf32, #tpu.memory_space<vmem>>, %arg5: memref<128x128xf32, #tpu.memory_space<vmem>>, %arg6: memref<2000x128xf32, #tpu.memory_space<vmem>>) attributes {dimension_semantics = [#tpu.dimension_semantics<arbitrary>], iteration_bounds = array<i64: 5>, scalar_prefetch = 0 : i64, scratch_operands = 0 : i64, tpu.core_type = #tpu.core_type<tc>, window_params = [{transform_indices = @transform_0, window_bounds = array<i64: 2, 2000, 128>}, {transform_indices = @transform_1, window_bounds = array<i64: 2000, 128>}, {transform_indices = @transform_2, window_bounds = array<i64: 2, 2000, 1>}, {pipeline_mode = #tpu.pipeline_mode<synchronous>, transform_indices = @transform_3, window_bounds = array<i64: 1, 128>}, {pipeline_mode = #tpu.pipeline_mode<synchronous>, transform_indices = @transform_4, window_bounds = array<i64: 128, 128>}, {transform_indices = @transform_5, window_bounds = array<i64: 2000, 128>}]} {
    %get3A = arith.constant 0 : index
    %get3A_0 = arith.constant 0 : index
    %get3A_1 = arith.constant 0 : index
    %get3A_2 = vector.load %arg3[%get3A, %get3A_0, %get3A_1] : memref<2x2000x1xf32, #tpu.memory_space<vmem>>, vector<1x2000x1xf32>
    %get3A_3 = vector.shape_cast %get3A_2 : vector<1x2000x1xf32> to vector<2000x1xf32>
    %get3A_4 = arith.constant 1 : index
    %get3A_5 = arith.constant 0 : index
    %get3A_6 = arith.constant 0 : index
    %get3A_7 = vector.load %arg3[%get3A_4, %get3A_5, %get3A_6] : memref<2x2000x1xf32, #tpu.memory_space<vmem>>, vector<1x2000x1xf32>
    %get3A_8 = vector.shape_cast %get3A_7 : vector<1x2000x1xf32> to vector<2000x1xf32>
    %add3A = arith.addf %get3A_3, %get3A_8 : vector<2000x1xf32>
    %add3A_9 = arith.constant 1.000000e+00 : f32
    %add3A_10 = vector.broadcast %add3A_9 : f32 to vector<2000x1xf32>
    %add3A_11 = arith.addf %add3A, %add3A_10 : vector<2000x1xf32>
    %rsqrt3A = math.rsqrt %add3A_11 : vector<2000x1xf32>
    %get3A_12 = arith.constant 0 : index
    %get3A_13 = arith.constant 0 : index
    %get3A_14 = arith.constant 0 : index
    %get3A_15 = vector.load %arg1[%get3A_12, %get3A_13, %get3A_14] : memref<2x2000x128xf32, #tpu.memory_space<vmem>>, vector<1x2000x128xf32>
    %get3A_16 = vector.shape_cast %get3A_15 : vector<1x2000x128xf32> to vector<2000x128xf32>
    %get3A_17 = arith.constant 1 : index
    %get3A_18 = arith.constant 0 : index
    %get3A_19 = arith.constant 0 : index
    %get3A_20 = vector.load %arg1[%get3A_17, %get3A_18, %get3A_19] : memref<2x2000x128xf32, #tpu.memory_space<vmem>>, vector<1x2000x128xf32>
    %get3A_21 = vector.shape_cast %get3A_20 : vector<1x2000x128xf32> to vector<2000x128xf32>
    %add3A_22 = arith.addf %get3A_16, %get3A_21 : vector<2000x128xf32>
    %get3A_23 = arith.constant 0 : index
    %get3A_24 = arith.constant 0 : index
    %get3A_25 = vector.load %arg2[%get3A_23, %get3A_24] : memref<2000x128xf32, #tpu.memory_space<vmem>>, vector<2000x128xf32>
    %add3A_26 = arith.addf %add3A_22, %get3A_25 : vector<2000x128xf32>
    %mul3A = vector.broadcast %rsqrt3A : vector<2000x1xf32> to vector<2000x128xf32>
    %mul3A_27 = arith.mulf %mul3A, %add3A_26 : vector<2000x128xf32>
    %get3A_28 = arith.constant 0 : index
    %get3A_29 = arith.constant 0 : index
    %get3A_30 = vector.load %arg4[%get3A_28, %get3A_29] : memref<1x128xf32, #tpu.memory_space<vmem>>, vector<1x128xf32>
    %add3A_31 = vector.broadcast %get3A_30 : vector<1x128xf32> to vector<2000x128xf32>
    %add3A_32 = arith.addf %mul3A_27, %add3A_31 : vector<2000x128xf32>
    %ge3A = arith.constant 0.000000e+00 : f32
    %ge3A_33 = vector.broadcast %ge3A : f32 to vector<2000x128xf32>
    %ge3A_34 = arith.cmpf oge, %add3A_32, %ge3A_33 : vector<2000x128xf32>
    %mul3A_35 = arith.constant 0.00999999977 : f32
    %mul3A_36 = vector.broadcast %mul3A_35 : f32 to vector<2000x128xf32>
    %mul3A_37 = arith.mulf %mul3A_36, %add3A_32 : vector<2000x128xf32>
    %select_n3A = arith.select %ge3A_34, %add3A_32, %mul3A_37 : vector<2000x128xi1>, vector<2000x128xf32>
    %get3A_38 = arith.constant 0 : index
    %get3A_39 = arith.constant 0 : index
    %get3A_40 = vector.load %arg5[%get3A_38, %get3A_39] : memref<128x128xf32, #tpu.memory_space<vmem>>, vector<128x128xf32>
    %dot_general3A = arith.constant dense<0.000000e+00> : vector<2000x128xf32>
    %dot_general3A_41 = tpu.matmul %select_n3A, %get3A_40, %dot_general3A {dimension_numbers = #tpu.dot_dimension_numbers<[1], [1], [0], [0], [0, 0, 1, 0], [], []>, transpose_lhs_hint = false} : vector<2000x128xf32>, vector<128x128xf32>, vector<2000x128xf32> -> vector<2000x128xf32>
    %mul3A_42 = vector.broadcast %rsqrt3A : vector<2000x1xf32> to vector<2000x128xf32>
    %mul3A_43 = arith.mulf %dot_general3A_41, %mul3A_42 : vector<2000x128xf32>
    %swap3A = arith.constant 0 : index
    %swap3A_44 = arith.constant 0 : index
    %swap3A_45 = vector.load %arg6[%swap3A, %swap3A_44] : memref<2000x128xf32, #tpu.memory_space<vmem>>, vector<2000x128xf32>
    tpu.vector_store %arg6[%swap3A, %swap3A_44], %mul3A_43 {strides = array<i32>} : memref<2000x128xf32, #tpu.memory_space<vmem>>, vector<2000x128xf32>,
    return
  }
  func.func @transform_0(%arg0: i32) -> (i32, i32, i32) {
    %c0_i32 = arith.constant 0 : i32
    %c0_i32_0 = arith.constant 0 : i32
    %c0_i32_1 = arith.constant 0 : i32
    return %c0_i32, %arg0, %c0_i32_0 : i32, i32, i32
  }
  func.func @transform_1(%arg0: i32) -> (i32, i32) {
    %c0_i32 = arith.constant 0 : i32
    %c0_i32_0 = arith.constant 0 : i32
    return %arg0, %c0_i32 : i32, i32
  }
  func.func @transform_2(%arg0: i32) -> (i32, i32, i32) {
    %c0_i32 = arith.constant 0 : i32
    %c0_i32_0 = arith.constant 0 : i32
    %c0_i32_1 = arith.constant 0 : i32
    return %c0_i32, %arg0, %c0_i32_0 : i32, i32, i32
  }
  func.func @transform_3(%arg0: i32) -> (i32, i32) {
    %c0_i32 = arith.constant 0 : i32
    %c0_i32_0 = arith.constant 0 : i32
    %c0_i32_1 = arith.constant 0 : i32
    return %c0_i32, %c0_i32_0 : i32, i32
  }
  func.func @transform_4(%arg0: i32) -> (i32, i32) {
    %c0_i32 = arith.constant 0 : i32
    %c0_i32_0 = arith.constant 0 : i32
    %c0_i32_1 = arith.constant 0 : i32
    return %c0_i32, %c0_i32_0 : i32, i32
  }
  func.func @transform_5(%arg0: i32) -> (i32, i32) {
    %c0_i32 = arith.constant 0 : i32
    %c0_i32_0 = arith.constant 0 : i32
    return %arg0, %c0_i32 : i32, i32
  }
}

module attributes {stable_mosaic.version = 14 : i64} {
  func.func @_tc3_body(%arg0: i32, %arg1: memref<2x2000x128xf32, #tpu.memory_space<vmem>>, %arg2: memref<2000x128xf32, #tpu.memory_space<vmem>>, %arg3: memref<2x2000x1xf32, #tpu.memory_space<vmem>>, %arg4: memref<1x128xf32, #tpu.memory_space<vmem>>, %arg5: memref<2000x128xf32, #tpu.memory_space<vmem>>) attributes {dimension_semantics = [#tpu.dimension_semantics<arbitrary>], iteration_bounds = array<i64: 5>, scalar_prefetch = 0 : i64, scratch_operands = 0 : i64, tpu.core_type = #tpu.core_type<tc>, window_params = [{transform_indices = @transform_0, window_bounds = array<i64: 2, 2000, 128>}, {transform_indices = @transform_1, window_bounds = array<i64: 2000, 128>}, {transform_indices = @transform_2, window_bounds = array<i64: 2, 2000, 1>}, {pipeline_mode = #tpu.pipeline_mode<synchronous>, transform_indices = @transform_3, window_bounds = array<i64: 1, 128>}, {transform_indices = @transform_4, window_bounds = array<i64: 2000, 128>}]} {
    %get3A = arith.constant 0 : index
    %get3A_0 = arith.constant 0 : index
    %get3A_1 = arith.constant 0 : index
    %get3A_2 = vector.load %arg3[%get3A, %get3A_0, %get3A_1] : memref<2x2000x1xf32, #tpu.memory_space<vmem>>, vector<1x2000x1xf32>
    %get3A_3 = vector.shape_cast %get3A_2 : vector<1x2000x1xf32> to vector<2000x1xf32>
    %get3A_4 = arith.constant 1 : index
    %get3A_5 = arith.constant 0 : index
    %get3A_6 = arith.constant 0 : index
    %get3A_7 = vector.load %arg3[%get3A_4, %get3A_5, %get3A_6] : memref<2x2000x1xf32, #tpu.memory_space<vmem>>, vector<1x2000x1xf32>
    %get3A_8 = vector.shape_cast %get3A_7 : vector<1x2000x1xf32> to vector<2000x1xf32>
    %add3A = arith.addf %get3A_3, %get3A_8 : vector<2000x1xf32>
    %add3A_9 = arith.constant 1.000000e+00 : f32
    %add3A_10 = vector.broadcast %add3A_9 : f32 to vector<2000x1xf32>
    %add3A_11 = arith.addf %add3A, %add3A_10 : vector<2000x1xf32>
    %rsqrt3A = math.rsqrt %add3A_11 : vector<2000x1xf32>
    %get3A_12 = arith.constant 0 : index
    %get3A_13 = arith.constant 0 : index
    %get3A_14 = arith.constant 0 : index
    %get3A_15 = vector.load %arg1[%get3A_12, %get3A_13, %get3A_14] : memref<2x2000x128xf32, #tpu.memory_space<vmem>>, vector<1x2000x128xf32>
    %get3A_16 = vector.shape_cast %get3A_15 : vector<1x2000x128xf32> to vector<2000x128xf32>
    %get3A_17 = arith.constant 1 : index
    %get3A_18 = arith.constant 0 : index
    %get3A_19 = arith.constant 0 : index
    %get3A_20 = vector.load %arg1[%get3A_17, %get3A_18, %get3A_19] : memref<2x2000x128xf32, #tpu.memory_space<vmem>>, vector<1x2000x128xf32>
    %get3A_21 = vector.shape_cast %get3A_20 : vector<1x2000x128xf32> to vector<2000x128xf32>
    %add3A_22 = arith.addf %get3A_16, %get3A_21 : vector<2000x128xf32>
    %get3A_23 = arith.constant 0 : index
    %get3A_24 = arith.constant 0 : index
    %get3A_25 = vector.load %arg2[%get3A_23, %get3A_24] : memref<2000x128xf32, #tpu.memory_space<vmem>>, vector<2000x128xf32>
    %add3A_26 = arith.addf %add3A_22, %get3A_25 : vector<2000x128xf32>
    %mul3A = vector.broadcast %rsqrt3A : vector<2000x1xf32> to vector<2000x128xf32>
    %mul3A_27 = arith.mulf %mul3A, %add3A_26 : vector<2000x128xf32>
    %get3A_28 = arith.constant 0 : index
    %get3A_29 = arith.constant 0 : index
    %get3A_30 = vector.load %arg4[%get3A_28, %get3A_29] : memref<1x128xf32, #tpu.memory_space<vmem>>, vector<1x128xf32>
    %add3A_31 = vector.broadcast %get3A_30 : vector<1x128xf32> to vector<2000x128xf32>
    %add3A_32 = arith.addf %mul3A_27, %add3A_31 : vector<2000x128xf32>
    %ge3A = arith.constant 0.000000e+00 : f32
    %ge3A_33 = vector.broadcast %ge3A : f32 to vector<2000x128xf32>
    %ge3A_34 = arith.cmpf oge, %add3A_32, %ge3A_33 : vector<2000x128xf32>
    %mul3A_35 = arith.constant 0.00999999977 : f32
    %mul3A_36 = vector.broadcast %mul3A_35 : f32 to vector<2000x128xf32>
    %mul3A_37 = arith.mulf %mul3A_36, %add3A_32 : vector<2000x128xf32>
    %select_n3A = arith.select %ge3A_34, %add3A_32, %mul3A_37 : vector<2000x128xi1>, vector<2000x128xf32>
    %swap3A = arith.constant 0 : index
    %swap3A_38 = arith.constant 0 : index
    %swap3A_39 = vector.load %arg5[%swap3A, %swap3A_38] : memref<2000x128xf32, #tpu.memory_space<vmem>>, vector<2000x128xf32>
    tpu.vector_store %arg5[%swap3A, %swap3A_38], %select_n3A {strides = array<i32>} : memref<2000x128xf32, #tpu.memory_space<vmem>>, vector<2000x128xf32>,
    return
  }
  func.func @transform_0(%arg0: i32) -> (i32, i32, i32) {
    %c0_i32 = arith.constant 0 : i32
    %c0_i32_0 = arith.constant 0 : i32
    %c0_i32_1 = arith.constant 0 : i32
    return %c0_i32, %arg0, %c0_i32_0 : i32, i32, i32
  }
  func.func @transform_1(%arg0: i32) -> (i32, i32) {
    %c0_i32 = arith.constant 0 : i32
    %c0_i32_0 = arith.constant 0 : i32
    return %arg0, %c0_i32 : i32, i32
  }
  func.func @transform_2(%arg0: i32) -> (i32, i32, i32) {
    %c0_i32 = arith.constant 0 : i32
    %c0_i32_0 = arith.constant 0 : i32
    %c0_i32_1 = arith.constant 0 : i32
    return %c0_i32, %arg0, %c0_i32_0 : i32, i32, i32
  }
  func.func @transform_3(%arg0: i32) -> (i32, i32) {
    %c0_i32 = arith.constant 0 : i32
    %c0_i32_0 = arith.constant 0 : i32
    %c0_i32_1 = arith.constant 0 : i32
    return %c0_i32, %c0_i32_0 : i32, i32
  }
  func.func @transform_4(%arg0: i32) -> (i32, i32) {
    %c0_i32 = arith.constant 0 : i32
    %c0_i32_0 = arith.constant 0 : i32
    return %arg0, %c0_i32 : i32, i32
  }
}

</mosaic_0001>

<sc_bundles>
// kernel: kernel.11.cloned.1.call-start
scs
__scs_entry_jumppad:
0x0: {  	(pc) =	sbr.rel $0x88, $3  }
0x1: {  	(tag) =	ssettag $0x0;
	lr =	simm.s32 $0x1  }
0x2: {  	[smem:$0x3F9B] =	sst lr;
	_ =	strace $0xD0000000  }
0x3: {  	_ = 	snop  }
0x4: {  	_ = 	snop  }
0x5: {  	_ = 	snop  }
0x6: {  	_ = 	snop  }
0x7: {  	_ = 	snop  }
__scs_overlays_trampoline_lowered:
0x8: {  	[smem:$0x3FAA] =	sst s0  }
0x9: {  	[smem:$0x3FAB] =	sst s1  }
0xa: {  	[smem:$0x3FAC] =	sst s2  }
0xb: {  	[smem:$0x3FAD] =	sst s3  }
0xc: {  	[smem:$0x3FAE] =	sst s4  }
0xd: {  	[smem:$0x3FAF] =	sst s5  }
0xe: {  	[smem:$0x3FB0] =	sst s6  }
0xf: {  	[smem:$0x3FB1] =	sst s7  }
0x10: {  	[smem:$0x3FB2] =	sst s8  }
0x11: {  	[smem:$0x3FB3] =	sst s9;
	s0 =	simm.s32 @!p0 $0x0  }
0x12: {  	s1 =	sld [smem:$0x3F99];
	s0 =	simm.s32 @p0 $0x1  }
0x13: {  	[smem:$0x3FB4] =	sst s0;
	s0 =	simm.s32 @!p1 $0x0  }
0x14: {  	s2 =	sld [smem:$0x3F98];
	s0 =	simm.s32 @p1 $0x1  }
0x15: {  	[smem:$0x3FB5] =	sst s0;
	s0 =	simm.s32 @!p2 $0x0  }
0x16: {  	s3 =	sld [smem:$0x3FDB];
	s0 =	simm.s32 @p2 $0x1  }
0x17: {  	s4 =	simm.s32 $0x1BF5;
	[smem:$0x3FB7] =	sst s0  }
0x18: {  	s0 =	sld [smem:$0x3F9A];
	_ =	swait.ge [sflag:s4], $0x0  }
0x19: {  	s7 =	sld [smem:$0x3F9B]  }
0x1a: {  	s8 =	sadd.s32 $0xFFFFE003, lr  }
0x1b: {  	s9 =	sadd.s32 $0xFFFFFEF7, lr;
	s5 =	simm.s32 $0xFFFFFFFF;
	p2 =	slt.u32 s8, $0xFFFFF086  }
0x1c: {  	p1 =	slt.u32 s9, $0xF7A;
	s5 =	simm.s32 @!p2 $0x0  }
0x1d: {  	s5 =	simm.s32 @p1 $0x1;
	p0 =	seq.s32 s7, s2  }
0x1e: {  	s7 =	smul.u32 @!p0 $0xF7A, s2;
	p2 =	seq.s32 @!p0 s5, $0x0  }
0x1f: {  	s9 =	smul.u32 $0xF7A, s1;
	s8 =	simm.s32 @!p0 $0x1BF5;
	p2 =	por !p2, p0  }
0x20: {  	[sflag:s8] =	ssyncset.s32 @!p0 $0xFFFFF086;
	s6 =	sadd.s32 @!p0 s3, s7;
	s7 =	simm.s32 @!p0 $0x108  }
0x21: {  	s3 =	sadd.s32 s3, s9;
	s6 =	sadd.s32 @!p0 $0x88, s6;
	s7 =	simm.s32 @p2 $0x1082  }
0x22: {  	[simem:s7], [sflag:s8] =	dma.local @!p0 [hbm:s6], $0xF7A  }
0x23: {  	s9 =	sor.u32 $0xD0000000, s2;
	s6 =	simm.s32 $0x108;
	_ =	swait.ge @!p0 [sflag:s8], $0x0  }
0x24: {  	s3 =	sadd.s32 $0x88, s3;
	s6 =	simm.s32 @!p1 $0x1082;
	[sflag:s4] =	ssyncset.s32 $0xFFFFF086  }
0x25: {  	[simem:s6], [sflag:s4] =	dma.local [hbm:s3], $0xF7A  }
0x26: {  	[smem:$0x3F9B] =	sst s1;
	(tag) =	ssettag s2;
	_ =	strace s9  }
0x27: {  	s1 =	sld [smem:$0x3FAB]  }
0x28: {  	s2 =	sld [smem:$0x3FAC]  }
0x29: {  	s4 =	sld [smem:$0x3FAE]  }
0x2a: {  	p0 =	seq.s32 s5, $0x0;
	s5 =	sld [smem:$0x3FAF]  }
0x2b: {  	s6 =	sld [smem:$0x3FB0]  }
0x2c: {  	s7 =	sld [smem:$0x3FB1]  }
0x2d: {  	s3 =	simm.s32 $0x108;
	s8 =	sld [smem:$0x3FB2]  }
0x2e: {  	s3 =	simm.s32 @!p0 $0x1082;
	s9 =	sld [smem:$0x3FB3]  }
0x2f: {  	lr =	sadd.s32 s0, s3;
	s0 =	sld [smem:$0x3FAA]  }
0x30: {  	s3 =	sld [smem:$0x3FAD]  }
0x31: {  	[smem:$0x3FB6] =	sst s10  }
0x32: {  	s10 =	sld [smem:$0x3FB4];
	_ =	sdelay $0x3  }
0x33: {  	p0 =	seq.s32 s10, $0x1;
	s10 =	sld [smem:$0x3FB6];
	_ =	sdelay $0x3  }
0x34: {  	[smem:$0x3FB6] =	sst s10  }
0x35: {  	s10 =	sld [smem:$0x3FB5];
	_ =	sdelay $0x3  }
0x36: {  	p1 =	seq.s32 s10, $0x1;
	s10 =	sld [smem:$0x3FB6];
	_ =	sdelay $0x3  }
0x37: {  	[smem:$0x3FB6] =	sst s10  }
0x38: {  	s10 =	sld [smem:$0x3FB7]  }
0x39: {  	_ = 	snop;
	(pc) =	sbr.ind lr, $3  }
0x3a: {  	_ = 	snop  }
0x3b: {  	_ = 	snop  }
0x3c: {  	p2 =	seq.s32 s10, $0x1;
	s10 =	sld [smem:$0x3FB6]  }
0x3d: {  	_ =	shalt  }
0x3e: {  	_ =	shalt  }
0x3f: {  	_ =	shalt  }
0x40: {  	_ =	shalt  }
0x41: {  	_ =	shalt  }
0x42: {  	_ =	shalt  }
0x43: {  	_ =	shalt  }
0x44: {  	_ =	shalt  }
0x45: {  	_ =	shalt  }
0x46: {  	_ =	shalt  }
0x47: {  	_ =	shalt  }
0x48: {  	_ =	shalt  }
0x49: {  	_ =	shalt  }
0x4a: {  	_ =	shalt  }
0x4b: {  	_ =	shalt  }
0x4c: {  	_ =	shalt  }
0x4d: {  	_ =	shalt  }
0x4e: {  	_ =	shalt  }
0x4f: {  	_ =	shalt  }
0x50: {  	_ =	shalt  }
0x51: {  	_ =	shalt  }
0x52: {  	_ =	shalt  }
0x53: {  	_ =	shalt  }
0x54: {  	_ =	shalt  }
0x55: {  	_ =	shalt  }
0x56: {  	_ =	shalt  }
0x57: {  	_ =	shalt  }
0x58: {  	_ =	shalt  }
0x59: {  	_ =	shalt  }
0x5a: {  	_ =	shalt  }
0x5b: {  	_ =	shalt  }
0x5c: {  	_ =	shalt  }
0x5d: {  	_ =	shalt  }
0x5e: {  	_ =	shalt  }
0x5f: {  	_ =	shalt  }
0x60: {  	_ =	shalt  }
0x61: {  	_ =	shalt  }
0x62: {  	_ =	shalt  }
0x63: {  	_ =	shalt  }
0x64: {  	_ =	shalt  }
0x65: {  	_ =	shalt  }
0x66: {  	_ =	shalt  }
0x67: {  	_ =	shalt  }
0x68: {  	_ =	shalt  }
0x69: {  	_ =	shalt  }
0x6a: {  	_ =	shalt  }
0x6b: {  	_ =	shalt  }
0x6c: {  	_ =	shalt  }
0x6d: {  	_ =	shalt  }
0x6e: {  	_ =	shalt  }
0x6f: {  	_ =	shalt  }
0x70: {  	_ =	shalt  }
0x71: {  	_ =	shalt  }
0x72: {  	_ =	shalt  }
0x73: {  	_ =	shalt  }
0x74: {  	_ =	shalt  }
0x75: {  	_ =	shalt  }
0x76: {  	_ =	shalt  }
0x77: {  	_ =	shalt  }
0x78: {  	_ =	shalt  }
0x79: {  	_ =	shalt  }
0x7a: {  	_ =	shalt  }
0x7b: {  	_ =	shalt  }
0x7c: {  	_ =	shalt  }
0x7d: {  	_ =	shalt  }
0x7e: {  	_ =	shalt  }
0x7f: {  	_ =	shalt  }
0x80: {  	_ =	shalt  }
0x81: {  	_ =	shalt  }
0x82: {  	_ =	shalt  }
0x83: {  	_ =	shalt  }
0x84: {  	_ =	shalt  }
0x85: {  	_ =	shalt  }
0x86: {  	_ =	shalt  }
0x87: {  	_ =	shalt  }
.Lfunc_end0:
.L_simem_size_0:
called_computation.1_lowered:
.L_overlay_start_0:
0x88: {  	s2 =	sld [smem:$0x3FD9]  }
0x89: {  	s3 =	sld [smem:$0x3FFE];
	_ =	sdelay $0x1  }
0x8a: {  	s1 =	srdreg.scid  }
0x8b: {  	s0 =	sand.u32 $0x1, s1  }
0x8c: {  	s17 =	sshll.u32 s0, $0xA;
	s2 =	sadd.s32 s3, s2  }
0x8d: {  	s2 =	sadd.s32 s2, s17  }
0x8e: {  	[smem:$0x3FC2] =	sst s2  }
0x8f: {  	_ = 	snop  }
0x90: {  	s2 =	sld [smem:$0x3FD0];
	(tm) =	ssettm $0x1  }
0x91: {  	s18 =	sld [smem:$0x3FFB];
	_ =	sdelay $0x3  }
0x92: {  	_ =	strace s18  }
0x93: {  	s3 =	sld [smem:$0x3FFC];
	_ =	sdelay $0x3  }
0x94: {  	_ =	strace s3  }
0x95: {  	s3 =	sld [smem:$0x3FFD];
	_ =	sdelay $0x3  }
0x96: {  	_ =	strace s3  }
0x97: {  	_ =	strace $0x8FFFFFFF  }
0x98: {  	s19 =	sld [smem:$0x3FDB];
	_ =	sdelay $0x1  }
0x99: {  	s4 =	simm.s32 $_scs_section_size  }
0x9a: {  	s5 =	simm.s32 $_size__tile_overlayer_lowered;
	s6 =	simm.s32 $_tile_overlayer_lowered  }
0x9b: {  	s22 =	simm.s32 $0x1BFF;
	s21 =	sshll.u32 s6, $0x1;
	s3 =	sadd.s32 s4, s19  }
0x9c: {  	s7 =	simm.s32 $0x0;
	s20 =	sshll.u32 s5, $0x1;
	s5 =	sadd.s32 s21, s3  }
0x9d: {  	[timem:s7], [sflag:s22] =	dma.local [hbm:s5], s20  }
0x9e: {  	_ =	swait.ge [sflag:s22], s20  }
0x9f: {  	s4 =	ssub.s32 $0x0, s20;
	[sflag:s22] =	ssyncset.done $0x0  }
0xa0: {  	[sflag:s22] =	ssyncadd.s32 s4;
	_ =	sdelay $0x1  }
0xa1: {  	s23 =	simm.s32 $0x1B8B  }
0xa2: {  	_ =	swait.ge [sflag:s23], $0x1  }
0xa3: {  	[sflag:s23] =	ssyncset.done $0x0  }
0xa4: {  	s25 =	simm.s32 $0x1B8E;
	s24 =	sld [smem:$0x3FFE];
	[sflag:s23] =	ssyncadd.s32 $0xFFFFFFFF  }
0xa5: {  	s26 =	simm.s32 $execute0_lowered;
	[smem:$0x3FD2] =	sst s25  }
0xa6: {  	s5 =	sshll.u32 s26, $0x1;
	_ =	strace $0x80000049;
	[dreg:$0x1] =	wrdreg $0xFFFFFFFF  }
0xa7: {  	s28 =	simm.s32 $_size_execute0_lowered;
	s3 =	sadd.s32 s3, s5;
	[dreg:$0x0] =	wrdreg $0x0  }
0xa8: {  	s5 =	sshll.u32 s28, $0x1;
	[dreg:$0x2] =	wrdreg s3  }
0xa9: {  	[dreg:$0x3] =	wrdreg s5  }
0xaa: {  	[dreg:$0x4] =	wrdreg $0xC0  }
0xab: {  	_ =	task [dreg:s7], $0x5FFFF  }
0xac: {  	[dreg:$0x1] =	wrdreg $0xFFFFFFFF  }
0xad: {  	[dreg:$0x0] =	wrdreg $0x60  }
0xae: {  	[dreg:$0x2] =	wrdreg s2  }
0xaf: {  	[dreg:$0x3] =	wrdreg s24  }
0xb0: {  	[dreg:$0x4] =	wrdreg $0xA0000  }
0xb1: {  	[dreg:$0x5] =	wrdreg $0x9  }
0xb2: {  	_ =	task.clear_ibuf [dreg:s7], $0x6FFFF;
	_ =	strace $0x90000049  }
0xb3: {  	s29 =	simm.s32 $0x9;
	_ =	strace $0x8000004B  }
0xb4: {  	_ =	swait.ge [sflag:s29], $0x1  }
0xb5: {  	[sflag:s29] =	ssyncadd.s32 $0xFFFFFFFF  }
0xb6: {  	_ =	strace $0x9000004B  }
0xb7: {  	_ =	sfence  }
0xb8: {  	s30 =	sld [smem:$0x0];
	_ =	sdelay $0x2  }
0xb9: {  	s31 =	sshll.u32 s1, $0xD;
	s1 =	sshrl.u32 s1, $0x2  }
0xba: {  	s3 =	sand.u32 $0x4000, s31;
	s1 =	sadd.s32 s1, s30  }
0xbb: {  	s0 =	sor.u32 s3, s0;
	s1 =	sshll.u32 s1, $0x11  }
0xbc: {  	s0 =	sor.u32 s1, s0  }
0xbd: {  	s0 =	sadd.s32 $0x8F2B, s0  }
0xbe: {  	[sflag:s0] =	ssyncadd.remote.s32 $0x1  }
0xbf: {  	_ =	sfence.sel $0xFFFF  }
0xc0: {  	[dreg:$0x0] =	wrdreg $0xFFFFFFFF;
	(pc) =	sbr.abs _section_cstart, $3  }
0xc1: {  	[dreg:$0x1] =	wrdreg $0xFFFFFFFF  }
0xc2: {  	_ =	task.clear_ibuf [dreg:s7], $0x2FFFF;
	_ =	strace $0x9FFFFFFF  }
0xc3: {  	(tm) =	ssettm $0x7FFFFFFF  }
tec
execute0_lowered:
.L_overlay_start_1:
0x0: {  	(tag) =	ssettag $0x1  }
0x1: {  	s1 =	rddreg [dreg:$0x0]  }
0x2: {  	s5 =	rddreg [dreg:$0x1]  }
0x3: {  	s0 =	stileid.u32;
	s2 =	srdreg.scid  }
0x4: {  	s3 =	rddreg [dreg:$0x2];
	s6 =	smul.u32 $0x600, s0  }
0x5: {  	s4 =	simm.s32 $0x0;
	s18 =	simm.s32 $0x1;
	s8 =	smul.u32 $0x14000, s0  }
0x6: {  	s17 =	sand.u32 $0x1, s2;
	s2 =	rddreg [dreg:$0x3];
	s26 =	smul.u32 $0x480, s0  }
0x7: {  	s19 =	simm.s32 $0x80;
	[smem:$0x7FF] =	sst s4;
	s9 =	smul.u32 $0x50000, s0  }
0x8: {  	s7 =	smul.u32 $0x140000, s17;
	_ =	strace $0x8000004A;
	s28 =	ssub.s32 $0x2, s17  }
0x9: {  	p0 =	seq.s32 s17, $0x0;
	s14 =	sadd.s32 s6, s5;
	s12 =	sadd.s32 s26, s5  }
0xa: {  	s30 =	sshrl.u32 s28, $0x1;
	s31 =	sshrl.u32 s9, $0x2;
	s7 =	sadd.s32 s8, s7  }
0xb: {  	s16 =	ssub.s32 s28, s30;
	s6 =	sadd.s32 s31, s3;
	s11 =	sadd.s32 $0x12400, s12  }
0xc: {  	s12 =	sadd.s32 $0x7C00, s12;
	s13 =	sadd.s32 $0xC400, s14;
	s14 =	sadd.s32 $0x1C00, s14  }
0xd: {  	s29 =	sshrl.u32 s7, $0x3;
	s7 =	sadd.s32 $0x4000, s6;
	s8 =	sadd.s32 $0x8000, s6  }
0xe: {  	s9 =	sadd.s32 $0xC000, s6;
	s15 =	sadd.s32 s29, s5;
	s5 =	simm.s32 $0x5A  }
0xf: {  	s10 =	sadd.s32 $0x10000, s6;
	s16 =	smax.u32 s16, $0x1;
	s5 =	simm.s32 @!p0 $0x43  }
0x10: {  	v0 =	vimm.f32 $0.0e+00;
	s15 =	sadd.s32 $0x66C00, s15;
	p0 =	sne.s32 s17, $0x0;
	s17 =	simm.s32 $0x6000  }
.LBB2_1:
0x11: {  	s20 =	simm.s32 $0x0;
	s21 =	simm.s32 $0x200  }
.LBB2_2:
0x12: {  	p1 =	sne.s32 s21, $0xFE00;
	[tilespmem:s20+$0x6070] =	vst v0  }
0x13: {  	[tilespmem:s20+$0x6000] =	vst v0  }
0x14: {  	[tilespmem:s20+$0x6010] =	vst v0  }
.Ltmp0:
0x15: {  	[tilespmem:s20+$0x6020] =	vst v0;
	(pc) =	sbr.rel @p1 .LBB2_2-.Ltmp0, $4  }
0x16: {  	[tilespmem:s20+$0x6030] =	vst v0  }
0x17: {  	[tilespmem:s20+$0x6040] =	vst v0  }
0x18: {  	[tilespmem:s20+$0x6050] =	vst v0  }
0x19: {  	[tilespmem:s20+$0x6060] =	vst v0;
	s20 =	sshra.s32 s21, $0x2;
	s21 =	sadd.s32 $0x200, s21  }
0x1a: {  	[tilespmem:s20+$0x6070] =	vst v0  }
0x1b: {  	[tilespmem:s20+$0x6000] =	vst v0  }
0x1c: {  	[tilespmem:s20+$0x6010] =	vst v0  }
0x1d: {  	[tilespmem:s20+$0x6020] =	vst v0  }
0x1e: {  	[tilespmem:s20+$0x6030] =	vst v0  }
0x1f: {  	[tilespmem:s20+$0x6040] =	vst v0  }
0x20: {  	[tilespmem:s20+$0x6050] =	vst v0  }
0x21: {  	[tilespmem:s20+$0x6060] =	vst v0  }
0x22: {  	[spmem:s6] =	stream.linear.scatter [tilespmem:s17], [sflag:$0x1], $0x4000, $0x38;
	[tilespmem:$0x1E000] =	vst v63  }
0x23: {  	_ =	swait.ge [sflag:s18], $0x4000  }
0x24: {  	[sflag:s18] =	ssyncset.done $0x0  }
0x25: {  	[sflag:s18] =	ssyncadd.s32 $0xFFFFC000  }
0x26: {  	[spmem:s7] =	stream.linear.scatter [tilespmem:s17], [sflag:$0x1], $0x4000, $0x38;
	[tilespmem:$0x1E000] =	vst v63  }
0x27: {  	_ =	swait.ge [sflag:s18], $0x4000  }
0x28: {  	[sflag:s18] =	ssyncset.done $0x0  }
0x29: {  	[sflag:s18] =	ssyncadd.s32 $0xFFFFC000  }
0x2a: {  	[spmem:s8] =	stream.linear.scatter [tilespmem:s17], [sflag:$0x1], $0x4000, $0x38;
	[tilespmem:$0x1E000] =	vst v63  }
0x2b: {  	_ =	swait.ge [sflag:s18], $0x4000  }
0x2c: {  	[sflag:s18] =	ssyncset.done $0x0  }
0x2d: {  	[sflag:s18] =	ssyncadd.s32 $0xFFFFC000  }
0x2e: {  	[spmem:s9] =	stream.linear.scatter [tilespmem:s17], [sflag:$0x1], $0x4000, $0x38;
	[tilespmem:$0x1E000] =	vst v63  }
0x2f: {  	_ =	swait.ge [sflag:s18], $0x4000  }
0x30: {  	[sflag:s18] =	ssyncset.done $0x0  }
0x31: {  	[sflag:s18] =	ssyncadd.s32 $0xFFFFC000  }
0x32: {  	[spmem:s10] =	stream.linear.scatter [tilespmem:s17], [sflag:$0x1], $0x4000, $0x38;
	[tilespmem:$0x1E000] =	vst v63  }
0x33: {  	_ =	swait.ge [sflag:s18], $0x4000  }
0x34: {  	[sflag:s18] =	ssyncset.done $0x0  }
0x35: {  	[sflag:s18] =	ssyncadd.s32 $0xFFFFC000  }
0x36: {  	s20 =	simm.s32 @p0 $0x0;
	s21 =	simm.s32 @p0 $0x1;
	[bflag:$0x0] =	sbarrier.arrive $0xFFFF  }
0x37: {  	[tilespmem:s20], [sflag:$0x1] =	stream.linear.gather @p0 [hbm4b:s11+s20], $0x2180, $0x38;
	[tilespmem:$0x1E000] =	vst v63  }
0x38: {  	_ =	swait.ge @p0 [sflag:s21], $0x2180  }
0x39: {  	[sflag:s21] =	ssyncset.done @p0 $0x0  }
0x3a: {  	s22 =	simm.s32 @p0 $0x3000;
	[sflag:s21] =	ssyncadd.s32 @p0 $0xFFFFDE80  }
0x3b: {  	[tilespmem:s22], [sflag:$0x1] =	stream.linear.gather @p0 [hbm4b:s12+s20], $0x2180, $0x38;
	[tilespmem:$0x1E000] =	vst v63  }
0x3c: {  	_ =	swait.ge @p0 [sflag:s21], $0x2180  }
0x3d: {  	[sflag:s21] =	ssyncset.done @p0 $0x0  }
0x3e: {  	s20 =	simm.s32 @!p0 $0x0;
	[sflag:s21] =	ssyncadd.s32 @p0 $0xFFFFDE80;
	s21 =	simm.s32 @!p0 $0x1  }
0x3f: {  	[tilespmem:s20], [sflag:$0x1] =	stream.linear.gather @!p0 [hbm4b:s13+s20], $0x2D00, $0x38;
	[tilespmem:$0x1E000] =	vst v63  }
0x40: {  	_ =	swait.ge @!p0 [sflag:s21], $0x2D00  }
0x41: {  	[sflag:s21] =	ssyncset.done @!p0 $0x0  }
0x42: {  	s22 =	simm.s32 @!p0 $0x3000;
	[sflag:s21] =	ssyncadd.s32 @!p0 $0xFFFFD300  }
0x43: {  	[tilespmem:s22], [sflag:$0x1] =	stream.linear.gather @!p0 [hbm4b:s14+s20], $0x2D00, $0x38;
	[tilespmem:$0x1E000] =	vst v63  }
0x44: {  	_ =	swait.ge @!p0 [sflag:s21], $0x2D00  }
0x45: {  	[sflag:s21] =	ssyncset.done @!p0 $0x0  }
0x46: {  	s20 =	simm.s32 $0x0;
	[sflag:s21] =	ssyncadd.s32 @!p0 $0xFFFFD300  }
0x47: {  	[tilespmem:s17], [sflag:$0x1] =	stream.indirect.gather [hbm4b:s1+s19], $0x80, s20, s19, $0xb8;
	[tilespmem:$0x1E000] =	vst v63  }
0x48: {  	p1 =	sne.s32 s5, $0x1;
	_ =	swait.ge [sflag:s18], $0x4000  }
.Ltmp1:
0x49: {  	[sflag:s18] =	ssyncset.done $0x0;
	(pc) =	sbr.rel @!p1 .LBB2_5-.Ltmp1, $4  }
0x4a: {  	s21 =	simm.s32 $0x3000;
	[sflag:s18] =	ssyncadd.s32 $0xFFFFC000  }
0x4b: {  	[spmem:s3] =	stream.indirect.scatter.add.f32 [tilespmem:s17], [sflag:$0x1], $0x80, s21, s19, $0xb8;
	[tilespmem:$0x1E000] =	vst v63  }
0x4c: {  	_ =	swait.ge [sflag:s18], $0x4000  }
0x4d: {  	s22 =	sadd.s32 $0xFFFFFFFF, s5;
	[sflag:s18] =	ssyncset.done $0x0  }
.LBB2_4:
0x4e: {  	[sflag:s18] =	ssyncadd.s32 $0xFFFFC000;
	s20 =	sadd.s32 $0x80, s20;
	s21 =	sadd.s32 $0x80, s21  }
0x4f: {  	[tilespmem:s17], [sflag:$0x1] =	stream.indirect.gather [hbm4b:s1+s19], $0x80, s20, s19, $0xb8;
	[tilespmem:$0x1E000] =	vst v63  }
0x50: {  	p1 =	sne.s32 s22, $0x1;
	s22 =	sadd.s32 $0xFFFFFFFF, s22;
	_ =	swait.ge [sflag:s18], $0x4000  }
.Ltmp2:
0x51: {  	[sflag:s18] =	ssyncset.done $0x0;
	(pc) =	sbr.rel @p1 .LBB2_4-.Ltmp2, $4  }
0x52: {  	[sflag:s18] =	ssyncadd.s32 $0xFFFFC000  }
0x53: {  	[spmem:s3] =	stream.indirect.scatter.add.f32 [tilespmem:s17], [sflag:$0x1], $0x80, s21, s19, $0xb8;
	[tilespmem:$0x1E000] =	vst v63  }
0x54: {  	_ =	swait.ge [sflag:s18], $0x4000  }
0x55: {  	[sflag:s18] =	ssyncset.done $0x0  }
.LBB2_5:
0x56: {  	[sflag:s18] =	ssyncadd.s32 $0xFFFFC000;
	s4 =	sadd.s32 $0x1, s4  }
0x57: {  	s20 =	sshll.u32 s0, $0x6;
	s21 =	sshrl.u32 s6, $0x3;
	p1 =	sne.s32 s4, s16  }
.Ltmp3:
0x58: {  	[bflag:$0x0] =	sbarrier.arrive $0xFFFF;
	s20 =	sor.u32 $0x1C01, s20;
	(pc) =	sbr.rel @p1 .LBB2_1-.Ltmp3, $4  }
0x59: {  	[hbm:s15], [sflag:s20] =	dma.local [spmem:s21], $0x2800  }
0x5a: {  	_ =	swait.ge [sflag:s18], $0x2800  }
0x5b: {  	[sflag:s18] =	ssyncset.done $0x0  }
0x5c: {  	[sflag:s18] =	ssyncadd.s32 $0xFFFFD800  }
0x5d: {  	_ =	sfence.sel $0x180000  }
0x5e: {  	[bflag:$0x0] =	sbarrier.arrive $0xFFFF  }
0x5f: {  	p0 =	sne.s32 s0, $0x0;
	_ =	strace $0x9000004A  }
0x60: {  	s0 =	sadd.s32 @!p0 $0x100000, s2;
	[bflag:$0x2] =	sbarrier.arrive $0xFFFF  }
0x61: {  	[sflag:s0] =	ssyncadd.tile.s32 @!p0 $0x1;
	_ =	shalt  }
.Lfunc_end2:
_tile_overlayer_lowered:
.L_overlay_start_2:
0x62: {  	(tag) =	ssettag $0x2  }
0x63: {  	s0 =	rddreg [dreg:$0x0];
	s2 =	stileid.u32  }
0x64: {  	s1 =	rddreg [dreg:$0x1];
	p0 =	sne.s32 s2, $0x0  }
0x65: {  	s3 =	rddreg [dreg:$0x2];
	[bflag:$0x3] =	sbarrier.arrive $0xFFFF;
	s2 =	simm.s32 @!p0 $0x1C01  }
0x66: {  	[timem:s3], [sflag:s2] =	dma.local @!p0 [hbm:s0], s1  }
0x67: {  	s0 =	simm.s32 @!p0 $0x1  }
0x68: {  	_ =	swait.ge @!p0 [sflag:s0], s1  }
0x69: {  	s1 =	ssub.s32 @!p0 $0x0, s1;
	[sflag:s0] =	ssyncset.done @!p0 $0x0  }
0x6a: {  	[sflag:s0] =	ssyncadd.s32 @!p0 s1  }
0x6b: {  	[bflag:$0x3] =	sbarrier.arrive $0xFFFF  }
0x6c: {  	_ =	shalt  }

// kernel: kernel.14.cloned.1.call-start
scs
__scs_entry_jumppad:
0x0: {  	(pc) =	sbr.rel $0x88, $3  }
0x1: {  	(tag) =	ssettag $0x0;
	lr =	simm.s32 $0x1  }
0x2: {  	[smem:$0x3F9B] =	sst lr;
	_ =	strace $0xD0000000  }
0x3: {  	_ = 	snop  }
0x4: {  	_ = 	snop  }
0x5: {  	_ = 	snop  }
0x6: {  	_ = 	snop  }
0x7: {  	_ = 	snop  }
__scs_overlays_trampoline_lowered:
0x8: {  	[smem:$0x3FAA] =	sst s0  }
0x9: {  	[smem:$0x3FAB] =	sst s1  }
0xa: {  	[smem:$0x3FAC] =	sst s2  }
0xb: {  	[smem:$0x3FAD] =	sst s3  }
0xc: {  	[smem:$0x3FAE] =	sst s4  }
0xd: {  	[smem:$0x3FAF] =	sst s5  }
0xe: {  	[smem:$0x3FB0] =	sst s6  }
0xf: {  	[smem:$0x3FB1] =	sst s7  }
0x10: {  	[smem:$0x3FB2] =	sst s8  }
0x11: {  	[smem:$0x3FB3] =	sst s9;
	s0 =	simm.s32 @!p0 $0x0  }
0x12: {  	s1 =	sld [smem:$0x3F99];
	s0 =	simm.s32 @p0 $0x1  }
0x13: {  	[smem:$0x3FB4] =	sst s0;
	s0 =	simm.s32 @!p1 $0x0  }
0x14: {  	s2 =	sld [smem:$0x3F98];
	s0 =	simm.s32 @p1 $0x1  }
0x15: {  	[smem:$0x3FB5] =	sst s0;
	s0 =	simm.s32 @!p2 $0x0  }
0x16: {  	s3 =	sld [smem:$0x3FDB];
	s0 =	simm.s32 @p2 $0x1  }
0x17: {  	s4 =	simm.s32 $0x1BF5;
	[smem:$0x3FB7] =	sst s0  }
0x18: {  	s0 =	sld [smem:$0x3F9A];
	_ =	swait.ge [sflag:s4], $0x0  }
0x19: {  	s7 =	sld [smem:$0x3F9B]  }
0x1a: {  	s8 =	sadd.s32 $0xFFFFE003, lr  }
0x1b: {  	s9 =	sadd.s32 $0xFFFFFEF7, lr;
	s5 =	simm.s32 $0xFFFFFFFF;
	p2 =	slt.u32 s8, $0xFFFFF086  }
0x1c: {  	p1 =	slt.u32 s9, $0xF7A;
	s5 =	simm.s32 @!p2 $0x0  }
0x1d: {  	s5 =	simm.s32 @p1 $0x1;
	p0 =	seq.s32 s7, s2  }
0x1e: {  	s7 =	smul.u32 @!p0 $0xF7A, s2;
	p2 =	seq.s32 @!p0 s5, $0x0  }
0x1f: {  	s9 =	smul.u32 $0xF7A, s1;
	s8 =	simm.s32 @!p0 $0x1BF5;
	p2 =	por !p2, p0  }
0x20: {  	[sflag:s8] =	ssyncset.s32 @!p0 $0xFFFFF086;
	s6 =	sadd.s32 @!p0 s3, s7;
	s7 =	simm.s32 @!p0 $0x108  }
0x21: {  	s3 =	sadd.s32 s3, s9;
	s6 =	sadd.s32 @!p0 $0x88, s6;
	s7 =	simm.s32 @p2 $0x1082  }
0x22: {  	[simem:s7], [sflag:s8] =	dma.local @!p0 [hbm:s6], $0xF7A  }
0x23: {  	s9 =	sor.u32 $0xD0000000, s2;
	s6 =	simm.s32 $0x108;
	_ =	swait.ge @!p0 [sflag:s8], $0x0  }
0x24: {  	s3 =	sadd.s32 $0x88, s3;
	s6 =	simm.s32 @!p1 $0x1082;
	[sflag:s4] =	ssyncset.s32 $0xFFFFF086  }
0x25: {  	[simem:s6], [sflag:s4] =	dma.local [hbm:s3], $0xF7A  }
0x26: {  	[smem:$0x3F9B] =	sst s1;
	(tag) =	ssettag s2;
	_ =	strace s9  }
0x27: {  	s1 =	sld [smem:$0x3FAB]  }
0x28: {  	s2 =	sld [smem:$0x3FAC]  }
0x29: {  	s4 =	sld [smem:$0x3FAE]  }
0x2a: {  	p0 =	seq.s32 s5, $0x0;
	s5 =	sld [smem:$0x3FAF]  }
0x2b: {  	s6 =	sld [smem:$0x3FB0]  }
0x2c: {  	s7 =	sld [smem:$0x3FB1]  }
0x2d: {  	s3 =	simm.s32 $0x108;
	s8 =	sld [smem:$0x3FB2]  }
0x2e: {  	s3 =	simm.s32 @!p0 $0x1082;
	s9 =	sld [smem:$0x3FB3]  }
0x2f: {  	lr =	sadd.s32 s0, s3;
	s0 =	sld [smem:$0x3FAA]  }
0x30: {  	s3 =	sld [smem:$0x3FAD]  }
0x31: {  	[smem:$0x3FB6] =	sst s10  }
0x32: {  	s10 =	sld [smem:$0x3FB4];
	_ =	sdelay $0x3  }
0x33: {  	p0 =	seq.s32 s10, $0x1;
	s10 =	sld [smem:$0x3FB6];
	_ =	sdelay $0x3  }
0x34: {  	[smem:$0x3FB6] =	sst s10  }
0x35: {  	s10 =	sld [smem:$0x3FB5];
	_ =	sdelay $0x3  }
0x36: {  	p1 =	seq.s32 s10, $0x1;
	s10 =	sld [smem:$0x3FB6];
	_ =	sdelay $0x3  }
0x37: {  	[smem:$0x3FB6] =	sst s10  }
0x38: {  	s10 =	sld [smem:$0x3FB7]  }
0x39: {  	_ = 	snop;
	(pc) =	sbr.ind lr, $3  }
0x3a: {  	_ = 	snop  }
0x3b: {  	_ = 	snop  }
0x3c: {  	p2 =	seq.s32 s10, $0x1;
	s10 =	sld [smem:$0x3FB6]  }
0x3d: {  	_ =	shalt  }
0x3e: {  	_ =	shalt  }
0x3f: {  	_ =	shalt  }
0x40: {  	_ =	shalt  }
0x41: {  	_ =	shalt  }
0x42: {  	_ =	shalt  }
0x43: {  	_ =	shalt  }
0x44: {  	_ =	shalt  }
0x45: {  	_ =	shalt  }
0x46: {  	_ =	shalt  }
0x47: {  	_ =	shalt  }
0x48: {  	_ =	shalt  }
0x49: {  	_ =	shalt  }
0x4a: {  	_ =	shalt  }
0x4b: {  	_ =	shalt  }
0x4c: {  	_ =	shalt  }
0x4d: {  	_ =	shalt  }
0x4e: {  	_ =	shalt  }
0x4f: {  	_ =	shalt  }
0x50: {  	_ =	shalt  }
0x51: {  	_ =	shalt  }
0x52: {  	_ =	shalt  }
0x53: {  	_ =	shalt  }
0x54: {  	_ =	shalt  }
0x55: {  	_ =	shalt  }
0x56: {  	_ =	shalt  }
0x57: {  	_ =	shalt  }
0x58: {  	_ =	shalt  }
0x59: {  	_ =	shalt  }
0x5a: {  	_ =	shalt  }
0x5b: {  	_ =	shalt  }
0x5c: {  	_ =	shalt  }
0x5d: {  	_ =	shalt  }
0x5e: {  	_ =	shalt  }
0x5f: {  	_ =	shalt  }
0x60: {  	_ =	shalt  }
0x61: {  	_ =	shalt  }
0x62: {  	_ =	shalt  }
0x63: {  	_ =	shalt  }
0x64: {  	_ =	shalt  }
0x65: {  	_ =	shalt  }
0x66: {  	_ =	shalt  }
0x67: {  	_ =	shalt  }
0x68: {  	_ =	shalt  }
0x69: {  	_ =	shalt  }
0x6a: {  	_ =	shalt  }
0x6b: {  	_ =	shalt  }
0x6c: {  	_ =	shalt  }
0x6d: {  	_ =	shalt  }
0x6e: {  	_ =	shalt  }
0x6f: {  	_ =	shalt  }
0x70: {  	_ =	shalt  }
0x71: {  	_ =	shalt  }
0x72: {  	_ =	shalt  }
0x73: {  	_ =	shalt  }
0x74: {  	_ =	shalt  }
0x75: {  	_ =	shalt  }
0x76: {  	_ =	shalt  }
0x77: {  	_ =	shalt  }
0x78: {  	_ =	shalt  }
0x79: {  	_ =	shalt  }
0x7a: {  	_ =	shalt  }
0x7b: {  	_ =	shalt  }
0x7c: {  	_ =	shalt  }
0x7d: {  	_ =	shalt  }
0x7e: {  	_ =	shalt  }
0x7f: {  	_ =	shalt  }
0x80: {  	_ =	shalt  }
0x81: {  	_ =	shalt  }
0x82: {  	_ =	shalt  }
0x83: {  	_ =	shalt  }
0x84: {  	_ =	shalt  }
0x85: {  	_ =	shalt  }
0x86: {  	_ =	shalt  }
0x87: {  	_ =	shalt  }
.Lfunc_end0:
.L_simem_size_0:
called_computation.2_lowered:
.L_overlay_start_0:
0x88: {  	s2 =	sld [smem:$0x3FD9]  }
0x89: {  	s3 =	sld [smem:$0x3FFE];
	_ =	sdelay $0x1  }
0x8a: {  	s1 =	srdreg.scid  }
0x8b: {  	s0 =	sand.u32 $0x1, s1  }
0x8c: {  	s17 =	sshll.u32 s0, $0xA;
	s2 =	sadd.s32 s3, s2  }
0x8d: {  	s2 =	sadd.s32 s2, s17  }
0x8e: {  	[smem:$0x3FC2] =	sst s2  }
0x8f: {  	_ = 	snop  }
0x90: {  	s2 =	sld [smem:$0x3FD0];
	(tm) =	ssettm $0x1  }
0x91: {  	s18 =	sld [smem:$0x3FFB];
	_ =	sdelay $0x3  }
0x92: {  	_ =	strace s18  }
0x93: {  	s3 =	sld [smem:$0x3FFC];
	_ =	sdelay $0x3  }
0x94: {  	_ =	strace s3  }
0x95: {  	s3 =	sld [smem:$0x3FFD];
	_ =	sdelay $0x3  }
0x96: {  	_ =	strace s3  }
0x97: {  	_ =	strace $0x8FFFFFFF  }
0x98: {  	s19 =	sld [smem:$0x3FDB];
	_ =	sdelay $0x1  }
0x99: {  	s4 =	simm.s32 $_scs_section_size  }
0x9a: {  	s5 =	simm.s32 $_size__tile_overlayer_lowered;
	s6 =	simm.s32 $_tile_overlayer_lowered  }
0x9b: {  	s22 =	simm.s32 $0x1BFF;
	s21 =	sshll.u32 s6, $0x1;
	s3 =	sadd.s32 s4, s19  }
0x9c: {  	s7 =	simm.s32 $0x0;
	s20 =	sshll.u32 s5, $0x1;
	s5 =	sadd.s32 s21, s3  }
0x9d: {  	[timem:s7], [sflag:s22] =	dma.local [hbm:s5], s20  }
0x9e: {  	_ =	swait.ge [sflag:s22], s20  }
0x9f: {  	s4 =	ssub.s32 $0x0, s20;
	[sflag:s22] =	ssyncset.done $0x0  }
0xa0: {  	[sflag:s22] =	ssyncadd.s32 s4;
	_ =	sdelay $0x1  }
0xa1: {  	s23 =	simm.s32 $0x1B8B  }
0xa2: {  	_ =	swait.ge [sflag:s23], $0x1  }
0xa3: {  	[sflag:s23] =	ssyncset.done $0x0  }
0xa4: {  	s25 =	simm.s32 $0x1B8E;
	s24 =	sld [smem:$0x3FFE];
	[sflag:s23] =	ssyncadd.s32 $0xFFFFFFFF  }
0xa5: {  	s26 =	simm.s32 $execute0_lowered;
	[smem:$0x3FD2] =	sst s25  }
0xa6: {  	s5 =	sshll.u32 s26, $0x1;
	_ =	strace $0x8000004C;
	[dreg:$0x1] =	wrdreg $0xFFFFFFFF  }
0xa7: {  	s28 =	simm.s32 $_size_execute0_lowered;
	s3 =	sadd.s32 s3, s5;
	[dreg:$0x0] =	wrdreg $0x0  }
0xa8: {  	s5 =	sshll.u32 s28, $0x1;
	[dreg:$0x2] =	wrdreg s3  }
0xa9: {  	[dreg:$0x3] =	wrdreg s5  }
0xaa: {  	[dreg:$0x4] =	wrdreg $0xC0  }
0xab: {  	_ =	task [dreg:s7], $0x5FFFF  }
0xac: {  	[dreg:$0x1] =	wrdreg $0xFFFFFFFF  }
0xad: {  	[dreg:$0x0] =	wrdreg $0x60  }
0xae: {  	[dreg:$0x2] =	wrdreg s2  }
0xaf: {  	[dreg:$0x3] =	wrdreg s24  }
0xb0: {  	[dreg:$0x4] =	wrdreg $0xA0000  }
0xb1: {  	[dreg:$0x5] =	wrdreg $0x9  }
0xb2: {  	_ =	task.clear_ibuf [dreg:s7], $0x6FFFF;
	_ =	strace $0x9000004C  }
0xb3: {  	s29 =	simm.s32 $0x9;
	_ =	strace $0x8000004E  }
0xb4: {  	_ =	swait.ge [sflag:s29], $0x1  }
0xb5: {  	[sflag:s29] =	ssyncadd.s32 $0xFFFFFFFF  }
0xb6: {  	_ =	strace $0x9000004E  }
0xb7: {  	_ =	sfence  }
0xb8: {  	s30 =	sld [smem:$0x0];
	_ =	sdelay $0x2  }
0xb9: {  	s31 =	sshll.u32 s1, $0xD;
	s1 =	sshrl.u32 s1, $0x2  }
0xba: {  	s3 =	sand.u32 $0x4000, s31;
	s1 =	sadd.s32 s1, s30  }
0xbb: {  	s0 =	sor.u32 s3, s0;
	s1 =	sshll.u32 s1, $0x11  }
0xbc: {  	s0 =	sor.u32 s1, s0  }
0xbd: {  	s0 =	sadd.s32 $0x8F2B, s0  }
0xbe: {  	[sflag:s0] =	ssyncadd.remote.s32 $0x1  }
0xbf: {  	_ =	sfence.sel $0xFFFF  }
0xc0: {  	[dreg:$0x0] =	wrdreg $0xFFFFFFFF;
	(pc) =	sbr.abs _section_cstart, $3  }
0xc1: {  	[dreg:$0x1] =	wrdreg $0xFFFFFFFF  }
0xc2: {  	_ =	task.clear_ibuf [dreg:s7], $0x2FFFF;
	_ =	strace $0x9FFFFFFF  }
0xc3: {  	(tm) =	ssettm $0x7FFFFFFF  }
tec
execute0_lowered:
.L_overlay_start_1:
0x0: {  	(tag) =	ssettag $0x1  }
0x1: {  	s1 =	rddreg [dreg:$0x0]  }
0x2: {  	s5 =	rddreg [dreg:$0x1]  }
0x3: {  	s0 =	stileid.u32;
	s2 =	srdreg.scid  }
0x4: {  	s3 =	rddreg [dreg:$0x2];
	s6 =	smul.u32 $0x600, s0  }
0x5: {  	s4 =	simm.s32 $0x0;
	s18 =	simm.s32 $0x1;
	s8 =	smul.u32 $0x14000, s0  }
0x6: {  	s17 =	sand.u32 $0x1, s2;
	s2 =	rddreg [dreg:$0x3];
	s26 =	smul.u32 $0x480, s0  }
0x7: {  	s19 =	simm.s32 $0x80;
	[smem:$0x7FF] =	sst s4;
	s9 =	smul.u32 $0x50000, s0  }
0x8: {  	s7 =	smul.u32 $0x140000, s17;
	_ =	strace $0x8000004D;
	s28 =	ssub.s32 $0x2, s17  }
0x9: {  	p0 =	seq.s32 s17, $0x0;
	s14 =	sadd.s32 s6, s5;
	s12 =	sadd.s32 s26, s5  }
0xa: {  	s30 =	sshrl.u32 s28, $0x1;
	s31 =	sshrl.u32 s9, $0x2;
	s7 =	sadd.s32 s8, s7  }
0xb: {  	s16 =	ssub.s32 s28, s30;
	s6 =	sadd.s32 s31, s3;
	s11 =	sadd.s32 $0x12400, s12  }
0xc: {  	s12 =	sadd.s32 $0x7C00, s12;
	s13 =	sadd.s32 $0xC400, s14;
	s14 =	sadd.s32 $0x1C00, s14  }
0xd: {  	s29 =	sshrl.u32 s7, $0x3;
	s7 =	sadd.s32 $0x4000, s6;
	s8 =	sadd.s32 $0x8000, s6  }
0xe: {  	s9 =	sadd.s32 $0xC000, s6;
	s15 =	sadd.s32 s29, s5;
	s5 =	simm.s32 $0x5A  }
0xf: {  	s10 =	sadd.s32 $0x10000, s6;
	s16 =	smax.u32 s16, $0x1;
	s5 =	simm.s32 @!p0 $0x43  }
0x10: {  	v0 =	vimm.f32 $0.0e+00;
	s15 =	sadd.s32 $0x66C00, s15;
	p0 =	sne.s32 s17, $0x0;
	s17 =	simm.s32 $0x6000  }
.LBB2_1:
0x11: {  	s20 =	simm.s32 $0x0;
	s21 =	simm.s32 $0x200  }
.LBB2_2:
0x12: {  	p1 =	sne.s32 s21, $0xFE00;
	[tilespmem:s20+$0x6070] =	vst v0  }
0x13: {  	[tilespmem:s20+$0x6000] =	vst v0  }
0x14: {  	[tilespmem:s20+$0x6010] =	vst v0  }
.Ltmp0:
0x15: {  	[tilespmem:s20+$0x6020] =	vst v0;
	(pc) =	sbr.rel @p1 .LBB2_2-.Ltmp0, $4  }
0x16: {  	[tilespmem:s20+$0x6030] =	vst v0  }
0x17: {  	[tilespmem:s20+$0x6040] =	vst v0  }
0x18: {  	[tilespmem:s20+$0x6050] =	vst v0  }
0x19: {  	[tilespmem:s20+$0x6060] =	vst v0;
	s20 =	sshra.s32 s21, $0x2;
	s21 =	sadd.s32 $0x200, s21  }
0x1a: {  	[tilespmem:s20+$0x6070] =	vst v0  }
0x1b: {  	[tilespmem:s20+$0x6000] =	vst v0  }
0x1c: {  	[tilespmem:s20+$0x6010] =	vst v0  }
0x1d: {  	[tilespmem:s20+$0x6020] =	vst v0  }
0x1e: {  	[tilespmem:s20+$0x6030] =	vst v0  }
0x1f: {  	[tilespmem:s20+$0x6040] =	vst v0  }
0x20: {  	[tilespmem:s20+$0x6050] =	vst v0  }
0x21: {  	[tilespmem:s20+$0x6060] =	vst v0  }
0x22: {  	[spmem:s6] =	stream.linear.scatter [tilespmem:s17], [sflag:$0x1], $0x4000, $0x38;
	[tilespmem:$0x1E000] =	vst v63  }
0x23: {  	_ =	swait.ge [sflag:s18], $0x4000  }
0x24: {  	[sflag:s18] =	ssyncset.done $0x0  }
0x25: {  	[sflag:s18] =	ssyncadd.s32 $0xFFFFC000  }
0x26: {  	[spmem:s7] =	stream.linear.scatter [tilespmem:s17], [sflag:$0x1], $0x4000, $0x38;
	[tilespmem:$0x1E000] =	vst v63  }
0x27: {  	_ =	swait.ge [sflag:s18], $0x4000  }
0x28: {  	[sflag:s18] =	ssyncset.done $0x0  }
0x29: {  	[sflag:s18] =	ssyncadd.s32 $0xFFFFC000  }
0x2a: {  	[spmem:s8] =	stream.linear.scatter [tilespmem:s17], [sflag:$0x1], $0x4000, $0x38;
	[tilespmem:$0x1E000] =	vst v63  }
0x2b: {  	_ =	swait.ge [sflag:s18], $0x4000  }
0x2c: {  	[sflag:s18] =	ssyncset.done $0x0  }
0x2d: {  	[sflag:s18] =	ssyncadd.s32 $0xFFFFC000  }
0x2e: {  	[spmem:s9] =	stream.linear.scatter [tilespmem:s17], [sflag:$0x1], $0x4000, $0x38;
	[tilespmem:$0x1E000] =	vst v63  }
0x2f: {  	_ =	swait.ge [sflag:s18], $0x4000  }
0x30: {  	[sflag:s18] =	ssyncset.done $0x0  }
0x31: {  	[sflag:s18] =	ssyncadd.s32 $0xFFFFC000  }
0x32: {  	[spmem:s10] =	stream.linear.scatter [tilespmem:s17], [sflag:$0x1], $0x4000, $0x38;
	[tilespmem:$0x1E000] =	vst v63  }
0x33: {  	_ =	swait.ge [sflag:s18], $0x4000  }
0x34: {  	[sflag:s18] =	ssyncset.done $0x0  }
0x35: {  	[sflag:s18] =	ssyncadd.s32 $0xFFFFC000  }
0x36: {  	s20 =	simm.s32 @p0 $0x0;
	s21 =	simm.s32 @p0 $0x1;
	[bflag:$0x0] =	sbarrier.arrive $0xFFFF  }
0x37: {  	[tilespmem:s20], [sflag:$0x1] =	stream.linear.gather @p0 [hbm4b:s11+s20], $0x2180, $0x38;
	[tilespmem:$0x1E000] =	vst v63  }
0x38: {  	_ =	swait.ge @p0 [sflag:s21], $0x2180  }
0x39: {  	[sflag:s21] =	ssyncset.done @p0 $0x0  }
0x3a: {  	s22 =	simm.s32 @p0 $0x3000;
	[sflag:s21] =	ssyncadd.s32 @p0 $0xFFFFDE80  }
0x3b: {  	[tilespmem:s22], [sflag:$0x1] =	stream.linear.gather @p0 [hbm4b:s12+s20], $0x2180, $0x38;
	[tilespmem:$0x1E000] =	vst v63  }
0x3c: {  	_ =	swait.ge @p0 [sflag:s21], $0x2180  }
0x3d: {  	[sflag:s21] =	ssyncset.done @p0 $0x0  }
0x3e: {  	s20 =	simm.s32 @!p0 $0x0;
	[sflag:s21] =	ssyncadd.s32 @p0 $0xFFFFDE80;
	s21 =	simm.s32 @!p0 $0x1  }
0x3f: {  	[tilespmem:s20], [sflag:$0x1] =	stream.linear.gather @!p0 [hbm4b:s13+s20], $0x2D00, $0x38;
	[tilespmem:$0x1E000] =	vst v63  }
0x40: {  	_ =	swait.ge @!p0 [sflag:s21], $0x2D00  }
0x41: {  	[sflag:s21] =	ssyncset.done @!p0 $0x0  }
0x42: {  	s22 =	simm.s32 @!p0 $0x3000;
	[sflag:s21] =	ssyncadd.s32 @!p0 $0xFFFFD300  }
0x43: {  	[tilespmem:s22], [sflag:$0x1] =	stream.linear.gather @!p0 [hbm4b:s14+s20], $0x2D00, $0x38;
	[tilespmem:$0x1E000] =	vst v63  }
0x44: {  	_ =	swait.ge @!p0 [sflag:s21], $0x2D00  }
0x45: {  	[sflag:s21] =	ssyncset.done @!p0 $0x0  }
0x46: {  	s20 =	simm.s32 $0x0;
	[sflag:s21] =	ssyncadd.s32 @!p0 $0xFFFFD300  }
0x47: {  	[tilespmem:s17], [sflag:$0x1] =	stream.indirect.gather [hbm4b:s1+s19], $0x80, s20, s19, $0xb8;
	[tilespmem:$0x1E000] =	vst v63  }
0x48: {  	p1 =	sne.s32 s5, $0x1;
	_ =	swait.ge [sflag:s18], $0x4000  }
.Ltmp1:
0x49: {  	[sflag:s18] =	ssyncset.done $0x0;
	(pc) =	sbr.rel @!p1 .LBB2_5-.Ltmp1, $4  }
0x4a: {  	s21 =	simm.s32 $0x3000;
	[sflag:s18] =	ssyncadd.s32 $0xFFFFC000  }
0x4b: {  	[spmem:s3] =	stream.indirect.scatter.add.f32 [tilespmem:s17], [sflag:$0x1], $0x80, s21, s19, $0xb8;
	[tilespmem:$0x1E000] =	vst v63  }
0x4c: {  	_ =	swait.ge [sflag:s18], $0x4000  }
0x4d: {  	s22 =	sadd.s32 $0xFFFFFFFF, s5;
	[sflag:s18] =	ssyncset.done $0x0  }
.LBB2_4:
0x4e: {  	[sflag:s18] =	ssyncadd.s32 $0xFFFFC000;
	s20 =	sadd.s32 $0x80, s20;
	s21 =	sadd.s32 $0x80, s21  }
0x4f: {  	[tilespmem:s17], [sflag:$0x1] =	stream.indirect.gather [hbm4b:s1+s19], $0x80, s20, s19, $0xb8;
	[tilespmem:$0x1E000] =	vst v63  }
0x50: {  	p1 =	sne.s32 s22, $0x1;
	s22 =	sadd.s32 $0xFFFFFFFF, s22;
	_ =	swait.ge [sflag:s18], $0x4000  }
.Ltmp2:
0x51: {  	[sflag:s18] =	ssyncset.done $0x0;
	(pc) =	sbr.rel @p1 .LBB2_4-.Ltmp2, $4  }
0x52: {  	[sflag:s18] =	ssyncadd.s32 $0xFFFFC000  }
0x53: {  	[spmem:s3] =	stream.indirect.scatter.add.f32 [tilespmem:s17], [sflag:$0x1], $0x80, s21, s19, $0xb8;
	[tilespmem:$0x1E000] =	vst v63  }
0x54: {  	_ =	swait.ge [sflag:s18], $0x4000  }
0x55: {  	[sflag:s18] =	ssyncset.done $0x0  }
.LBB2_5:
0x56: {  	[sflag:s18] =	ssyncadd.s32 $0xFFFFC000;
	s4 =	sadd.s32 $0x1, s4  }
0x57: {  	s20 =	sshll.u32 s0, $0x6;
	s21 =	sshrl.u32 s6, $0x3;
	p1 =	sne.s32 s4, s16  }
.Ltmp3:
0x58: {  	[bflag:$0x0] =	sbarrier.arrive $0xFFFF;
	s20 =	sor.u32 $0x1C01, s20;
	(pc) =	sbr.rel @p1 .LBB2_1-.Ltmp3, $4  }
0x59: {  	[hbm:s15], [sflag:s20] =	dma.local [spmem:s21], $0x2800  }
0x5a: {  	_ =	swait.ge [sflag:s18], $0x2800  }
0x5b: {  	[sflag:s18] =	ssyncset.done $0x0  }
0x5c: {  	[sflag:s18] =	ssyncadd.s32 $0xFFFFD800  }
0x5d: {  	_ =	sfence.sel $0x180000  }
0x5e: {  	[bflag:$0x0] =	sbarrier.arrive $0xFFFF  }
0x5f: {  	p0 =	sne.s32 s0, $0x0;
	_ =	strace $0x9000004D  }
0x60: {  	s0 =	sadd.s32 @!p0 $0x100000, s2;
	[bflag:$0x2] =	sbarrier.arrive $0xFFFF  }
0x61: {  	[sflag:s0] =	ssyncadd.tile.s32 @!p0 $0x1;
	_ =	shalt  }
.Lfunc_end2:
_tile_overlayer_lowered:
.L_overlay_start_2:
0x62: {  	(tag) =	ssettag $0x2  }
0x63: {  	s0 =	rddreg [dreg:$0x0];
	s2 =	stileid.u32  }
0x64: {  	s1 =	rddreg [dreg:$0x1];
	p0 =	sne.s32 s2, $0x0  }
0x65: {  	s3 =	rddreg [dreg:$0x2];
	[bflag:$0x3] =	sbarrier.arrive $0xFFFF;
	s2 =	simm.s32 @!p0 $0x1C01  }
0x66: {  	[timem:s3], [sflag:s2] =	dma.local @!p0 [hbm:s0], s1  }
0x67: {  	s0 =	simm.s32 @!p0 $0x1  }
0x68: {  	_ =	swait.ge @!p0 [sflag:s0], s1  }
0x69: {  	s1 =	ssub.s32 @!p0 $0x0, s1;
	[sflag:s0] =	ssyncset.done @!p0 $0x0  }
0x6a: {  	[sflag:s0] =	ssyncadd.s32 @!p0 s1  }
0x6b: {  	[bflag:$0x3] =	sbarrier.arrive $0xFFFF  }
0x6c: {  	_ =	shalt  }

// kernel: kernel.8.cloned.1.call-start
scs
__scs_entry_jumppad:
0x0: {  	(pc) =	sbr.rel $0x88, $3  }
0x1: {  	(tag) =	ssettag $0x0;
	lr =	simm.s32 $0x1  }
0x2: {  	[smem:$0x3F9B] =	sst lr;
	_ =	strace $0xD0000000  }
0x3: {  	_ = 	snop  }
0x4: {  	_ = 	snop  }
0x5: {  	_ = 	snop  }
0x6: {  	_ = 	snop  }
0x7: {  	_ = 	snop  }
__scs_overlays_trampoline_lowered:
0x8: {  	[smem:$0x3FAA] =	sst s0  }
0x9: {  	[smem:$0x3FAB] =	sst s1  }
0xa: {  	[smem:$0x3FAC] =	sst s2  }
0xb: {  	[smem:$0x3FAD] =	sst s3  }
0xc: {  	[smem:$0x3FAE] =	sst s4  }
0xd: {  	[smem:$0x3FAF] =	sst s5  }
0xe: {  	[smem:$0x3FB0] =	sst s6  }
0xf: {  	[smem:$0x3FB1] =	sst s7  }
0x10: {  	[smem:$0x3FB2] =	sst s8  }
0x11: {  	[smem:$0x3FB3] =	sst s9;
	s0 =	simm.s32 @!p0 $0x0  }
0x12: {  	s1 =	sld [smem:$0x3F99];
	s0 =	simm.s32 @p0 $0x1  }
0x13: {  	[smem:$0x3FB4] =	sst s0;
	s0 =	simm.s32 @!p1 $0x0  }
0x14: {  	s2 =	sld [smem:$0x3F98];
	s0 =	simm.s32 @p1 $0x1  }
0x15: {  	[smem:$0x3FB5] =	sst s0;
	s0 =	simm.s32 @!p2 $0x0  }
0x16: {  	s3 =	sld [smem:$0x3FDB];
	s0 =	simm.s32 @p2 $0x1  }
0x17: {  	s4 =	simm.s32 $0x1BF5;
	[smem:$0x3FB7] =	sst s0  }
0x18: {  	s0 =	sld [smem:$0x3F9A];
	_ =	swait.ge [sflag:s4], $0x0  }
0x19: {  	s7 =	sld [smem:$0x3F9B]  }
0x1a: {  	s8 =	sadd.s32 $0xFFFFE003, lr  }
0x1b: {  	s9 =	sadd.s32 $0xFFFFFEF7, lr;
	s5 =	simm.s32 $0xFFFFFFFF;
	p2 =	slt.u32 s8, $0xFFFFF086  }
0x1c: {  	p1 =	slt.u32 s9, $0xF7A;
	s5 =	simm.s32 @!p2 $0x0  }
0x1d: {  	s5 =	simm.s32 @p1 $0x1;
	p0 =	seq.s32 s7, s2  }
0x1e: {  	s7 =	smul.u32 @!p0 $0xF7A, s2;
	p2 =	seq.s32 @!p0 s5, $0x0  }
0x1f: {  	s9 =	smul.u32 $0xF7A, s1;
	s8 =	simm.s32 @!p0 $0x1BF5;
	p2 =	por !p2, p0  }
0x20: {  	[sflag:s8] =	ssyncset.s32 @!p0 $0xFFFFF086;
	s6 =	sadd.s32 @!p0 s3, s7;
	s7 =	simm.s32 @!p0 $0x108  }
0x21: {  	s3 =	sadd.s32 s3, s9;
	s6 =	sadd.s32 @!p0 $0x88, s6;
	s7 =	simm.s32 @p2 $0x1082  }
0x22: {  	[simem:s7], [sflag:s8] =	dma.local @!p0 [hbm:s6], $0xF7A  }
0x23: {  	s9 =	sor.u32 $0xD0000000, s2;
	s6 =	simm.s32 $0x108;
	_ =	swait.ge @!p0 [sflag:s8], $0x0  }
0x24: {  	s3 =	sadd.s32 $0x88, s3;
	s6 =	simm.s32 @!p1 $0x1082;
	[sflag:s4] =	ssyncset.s32 $0xFFFFF086  }
0x25: {  	[simem:s6], [sflag:s4] =	dma.local [hbm:s3], $0xF7A  }
0x26: {  	[smem:$0x3F9B] =	sst s1;
	(tag) =	ssettag s2;
	_ =	strace s9  }
0x27: {  	s1 =	sld [smem:$0x3FAB]  }
0x28: {  	s2 =	sld [smem:$0x3FAC]  }
0x29: {  	s4 =	sld [smem:$0x3FAE]  }
0x2a: {  	p0 =	seq.s32 s5, $0x0;
	s5 =	sld [smem:$0x3FAF]  }
0x2b: {  	s6 =	sld [smem:$0x3FB0]  }
0x2c: {  	s7 =	sld [smem:$0x3FB1]  }
0x2d: {  	s3 =	simm.s32 $0x108;
	s8 =	sld [smem:$0x3FB2]  }
0x2e: {  	s3 =	simm.s32 @!p0 $0x1082;
	s9 =	sld [smem:$0x3FB3]  }
0x2f: {  	lr =	sadd.s32 s0, s3;
	s0 =	sld [smem:$0x3FAA]  }
0x30: {  	s3 =	sld [smem:$0x3FAD]  }
0x31: {  	[smem:$0x3FB6] =	sst s10  }
0x32: {  	s10 =	sld [smem:$0x3FB4];
	_ =	sdelay $0x3  }
0x33: {  	p0 =	seq.s32 s10, $0x1;
	s10 =	sld [smem:$0x3FB6];
	_ =	sdelay $0x3  }
0x34: {  	[smem:$0x3FB6] =	sst s10  }
0x35: {  	s10 =	sld [smem:$0x3FB5];
	_ =	sdelay $0x3  }
0x36: {  	p1 =	seq.s32 s10, $0x1;
	s10 =	sld [smem:$0x3FB6];
	_ =	sdelay $0x3  }
0x37: {  	[smem:$0x3FB6] =	sst s10  }
0x38: {  	s10 =	sld [smem:$0x3FB7]  }
0x39: {  	_ = 	snop;
	(pc) =	sbr.ind lr, $3  }
0x3a: {  	_ = 	snop  }
0x3b: {  	_ = 	snop  }
0x3c: {  	p2 =	seq.s32 s10, $0x1;
	s10 =	sld [smem:$0x3FB6]  }
0x3d: {  	_ =	shalt  }
0x3e: {  	_ =	shalt  }
0x3f: {  	_ =	shalt  }
0x40: {  	_ =	shalt  }
0x41: {  	_ =	shalt  }
0x42: {  	_ =	shalt  }
0x43: {  	_ =	shalt  }
0x44: {  	_ =	shalt  }
0x45: {  	_ =	shalt  }
0x46: {  	_ =	shalt  }
0x47: {  	_ =	shalt  }
0x48: {  	_ =	shalt  }
0x49: {  	_ =	shalt  }
0x4a: {  	_ =	shalt  }
0x4b: {  	_ =	shalt  }
0x4c: {  	_ =	shalt  }
0x4d: {  	_ =	shalt  }
0x4e: {  	_ =	shalt  }
0x4f: {  	_ =	shalt  }
0x50: {  	_ =	shalt  }
0x51: {  	_ =	shalt  }
0x52: {  	_ =	shalt  }
0x53: {  	_ =	shalt  }
0x54: {  	_ =	shalt  }
0x55: {  	_ =	shalt  }
0x56: {  	_ =	shalt  }
0x57: {  	_ =	shalt  }
0x58: {  	_ =	shalt  }
0x59: {  	_ =	shalt  }
0x5a: {  	_ =	shalt  }
0x5b: {  	_ =	shalt  }
0x5c: {  	_ =	shalt  }
0x5d: {  	_ =	shalt  }
0x5e: {  	_ =	shalt  }
0x5f: {  	_ =	shalt  }
0x60: {  	_ =	shalt  }
0x61: {  	_ =	shalt  }
0x62: {  	_ =	shalt  }
0x63: {  	_ =	shalt  }
0x64: {  	_ =	shalt  }
0x65: {  	_ =	shalt  }
0x66: {  	_ =	shalt  }
0x67: {  	_ =	shalt  }
0x68: {  	_ =	shalt  }
0x69: {  	_ =	shalt  }
0x6a: {  	_ =	shalt  }
0x6b: {  	_ =	shalt  }
0x6c: {  	_ =	shalt  }
0x6d: {  	_ =	shalt  }
0x6e: {  	_ =	shalt  }
0x6f: {  	_ =	shalt  }
0x70: {  	_ =	shalt  }
0x71: {  	_ =	shalt  }
0x72: {  	_ =	shalt  }
0x73: {  	_ =	shalt  }
0x74: {  	_ =	shalt  }
0x75: {  	_ =	shalt  }
0x76: {  	_ =	shalt  }
0x77: {  	_ =	shalt  }
0x78: {  	_ =	shalt  }
0x79: {  	_ =	shalt  }
0x7a: {  	_ =	shalt  }
0x7b: {  	_ =	shalt  }
0x7c: {  	_ =	shalt  }
0x7d: {  	_ =	shalt  }
0x7e: {  	_ =	shalt  }
0x7f: {  	_ =	shalt  }
0x80: {  	_ =	shalt  }
0x81: {  	_ =	shalt  }
0x82: {  	_ =	shalt  }
0x83: {  	_ =	shalt  }
0x84: {  	_ =	shalt  }
0x85: {  	_ =	shalt  }
0x86: {  	_ =	shalt  }
0x87: {  	_ =	shalt  }
.Lfunc_end0:
.L_simem_size_0:
called_computation_lowered:
.L_overlay_start_0:
0x88: {  	s2 =	sld [smem:$0x3FD9]  }
0x89: {  	s3 =	sld [smem:$0x3FFE];
	_ =	sdelay $0x1  }
0x8a: {  	s1 =	srdreg.scid  }
0x8b: {  	s0 =	sand.u32 $0x1, s1  }
0x8c: {  	s17 =	sshll.u32 s0, $0xA;
	s2 =	sadd.s32 s3, s2  }
0x8d: {  	s2 =	sadd.s32 s2, s17  }
0x8e: {  	[smem:$0x3FC2] =	sst s2  }
0x8f: {  	_ = 	snop  }
0x90: {  	s2 =	sld [smem:$0x3FD0];
	(tm) =	ssettm $0x1  }
0x91: {  	s18 =	sld [smem:$0x3FFB];
	_ =	sdelay $0x3  }
0x92: {  	_ =	strace s18  }
0x93: {  	s3 =	sld [smem:$0x3FFC];
	_ =	sdelay $0x3  }
0x94: {  	_ =	strace s3  }
0x95: {  	s3 =	sld [smem:$0x3FFD];
	_ =	sdelay $0x3  }
0x96: {  	_ =	strace s3  }
0x97: {  	_ =	strace $0x8FFFFFFF  }
0x98: {  	s19 =	sld [smem:$0x3FDB];
	_ =	sdelay $0x1  }
0x99: {  	s4 =	simm.s32 $_scs_section_size  }
0x9a: {  	s5 =	simm.s32 $_size__tile_overlayer_lowered;
	s6 =	simm.s32 $_tile_overlayer_lowered  }
0x9b: {  	s22 =	simm.s32 $0x1BFF;
	s21 =	sshll.u32 s6, $0x1;
	s3 =	sadd.s32 s4, s19  }
0x9c: {  	s7 =	simm.s32 $0x0;
	s20 =	sshll.u32 s5, $0x1;
	s5 =	sadd.s32 s21, s3  }
0x9d: {  	[timem:s7], [sflag:s22] =	dma.local [hbm:s5], s20  }
0x9e: {  	_ =	swait.ge [sflag:s22], s20  }
0x9f: {  	s4 =	ssub.s32 $0x0, s20;
	[sflag:s22] =	ssyncset.done $0x0  }
0xa0: {  	[sflag:s22] =	ssyncadd.s32 s4;
	_ =	sdelay $0x1  }
0xa1: {  	s23 =	simm.s32 $0x1B8B  }
0xa2: {  	_ =	swait.ge [sflag:s23], $0x1  }
0xa3: {  	[sflag:s23] =	ssyncset.done $0x0  }
0xa4: {  	s25 =	simm.s32 $0x1B8E;
	s24 =	sld [smem:$0x3FFE];
	[sflag:s23] =	ssyncadd.s32 $0xFFFFFFFF  }
0xa5: {  	s26 =	simm.s32 $execute0_lowered;
	[smem:$0x3FD2] =	sst s25  }
0xa6: {  	s5 =	sshll.u32 s26, $0x1;
	_ =	strace $0x80000046;
	[dreg:$0x1] =	wrdreg $0xFFFFFFFF  }
0xa7: {  	s28 =	simm.s32 $_size_execute0_lowered;
	s3 =	sadd.s32 s3, s5;
	[dreg:$0x0] =	wrdreg $0x0  }
0xa8: {  	s5 =	sshll.u32 s28, $0x1;
	[dreg:$0x2] =	wrdreg s3  }
0xa9: {  	[dreg:$0x3] =	wrdreg s5  }
0xaa: {  	[dreg:$0x4] =	wrdreg $0xC0  }
0xab: {  	_ =	task [dreg:s7], $0x5FFFF  }
0xac: {  	[dreg:$0x1] =	wrdreg $0xFFFFFFFF  }
0xad: {  	[dreg:$0x0] =	wrdreg $0x60  }
0xae: {  	[dreg:$0x2] =	wrdreg s24  }
0xaf: {  	[dreg:$0x3] =	wrdreg s2  }
0xb0: {  	[dreg:$0x4] =	wrdreg $0x33000  }
0xb1: {  	[dreg:$0x5] =	wrdreg $0x9  }
0xb2: {  	_ =	task.clear_ibuf [dreg:s7], $0x6FFFF;
	_ =	strace $0x90000046  }
0xb3: {  	s29 =	simm.s32 $0x9;
	_ =	strace $0x80000048  }
0xb4: {  	_ =	swait.ge [sflag:s29], $0x1  }
0xb5: {  	[sflag:s29] =	ssyncadd.s32 $0xFFFFFFFF  }
0xb6: {  	_ =	strace $0x90000048  }
0xb7: {  	_ =	sfence  }
0xb8: {  	s30 =	sld [smem:$0x0];
	_ =	sdelay $0x2  }
0xb9: {  	s31 =	sshll.u32 s1, $0xD;
	s1 =	sshrl.u32 s1, $0x2  }
0xba: {  	s3 =	sand.u32 $0x4000, s31;
	s1 =	sadd.s32 s1, s30  }
0xbb: {  	s0 =	sor.u32 s3, s0;
	s1 =	sshll.u32 s1, $0x11  }
0xbc: {  	s0 =	sor.u32 s1, s0  }
0xbd: {  	s0 =	sadd.s32 $0x8F2B, s0  }
0xbe: {  	[sflag:s0] =	ssyncadd.remote.s32 $0x1  }
0xbf: {  	_ =	sfence.sel $0xFFFF  }
0xc0: {  	[dreg:$0x0] =	wrdreg $0xFFFFFFFF;
	(pc) =	sbr.abs _section_cstart, $3  }
0xc1: {  	[dreg:$0x1] =	wrdreg $0xFFFFFFFF  }
0xc2: {  	_ =	task.clear_ibuf [dreg:s7], $0x2FFFF;
	_ =	strace $0x9FFFFFFF  }
0xc3: {  	(tm) =	ssettm $0x7FFFFFFF  }
tec
execute0_lowered:
.L_overlay_start_1:
0x0: {  	(tag) =	ssettag $0x1  }
0x1: {  	s4 =	rddreg [dreg:$0x0]  }
0x2: {  	s8 =	rddreg [dreg:$0x1]  }
0x3: {  	s2 =	rddreg [dreg:$0x2]  }
0x4: {  	s0 =	rddreg [dreg:$0x3];
	s3 =	simm.s32 $0x0;
	s1 =	stileid.u32  }
0x5: {  	s6 =	srdreg.scid;
	s13 =	simm.s32 $0x3000;
	s5 =	smul.u32 $0x600, s1  }
0x6: {  	s16 =	simm.s32 $0x20;
	s17 =	simm.s32 $0x10;
	s7 =	smul.u32 $0x480, s1  }
0x7: {  	s18 =	simm.s32 $0x0;
	[smem:$0x7FF] =	sst s3;
	s29 =	smul.u32 $0xA00, s1  }
0x8: {  	s10 =	sand.u32 $0x1, s6;
	s11 =	smul.u32 $0x500, s1;
	s14 =	sshll.u32 s1, $0x6  }
0x9: {  	_ =	strace $0x80000047;
	s28 =	ssub.s32 $0x2, s10;
	p0 =	seq.s32 s10, $0x0  }
0xa: {  	s31 =	sshll.u32 s10, $0x7;
	s14 =	sor.u32 $0x1C01, s14;
	s9 =	sadd.s32 s5, s4  }
0xb: {  	s7 =	sadd.s32 s7, s4;
	s30 =	sshrl.u32 s28, $0x1;
	s4 =	simm.s32 $0x5A  }
0xc: {  	s6 =	sshrl.u32 s29, $0x2;
	s11 =	sor.u32 s31, s11;
	s12 =	ssub.s32 s28, s30  }
0xd: {  	s4 =	simm.s32 @!p0 $0x43;
	s5 =	sadd.s32 s6, s2;
	s11 =	sshrl.u32 s11, $0x3  }
0xe: {  	s6 =	sadd.s32 $0x7C00, s7;
	s7 =	sadd.s32 $0x1C00, s9;
	p0 =	sne.s32 s10, $0x0  }
0xf: {  	s10 =	simm.s32 $0x3080;
	s8 =	sadd.s32 s8, s11;
	s9 =	smax.u32 s12, $0x1  }
0x10: {  	v0 =	vimm.f32 $0.0e+00;
	v1 =	vimm.f32 $1.000000000e+00;
	s11 =	simm.s32 $0x1;
	s12 =	simm.s32 $0x80;
	s15 =	sshrl.u32 s5, $0x3  }
.LBB2_1:
0x11: {  	[tilespmem:$0x3080] =	vst v0  }
0x12: {  	[tilespmem:$0x3090] =	vst v0  }
0x13: {  	[tilespmem:$0x30A0] =	vst v0  }
0x14: {  	[tilespmem:$0x30B0] =	vst v0  }
0x15: {  	[tilespmem:$0x30C0] =	vst v0  }
0x16: {  	[tilespmem:$0x30D0] =	vst v0  }
0x17: {  	[tilespmem:$0x30E0] =	vst v0  }
0x18: {  	[tilespmem:$0x30F0] =	vst v0  }
0x19: {  	[tilespmem:$0x3100] =	vst v0  }
0x1a: {  	[tilespmem:$0x3110] =	vst v0  }
0x1b: {  	[tilespmem:$0x3120] =	vst v0  }
0x1c: {  	[tilespmem:$0x3130] =	vst v0  }
0x1d: {  	[tilespmem:$0x3140] =	vst v0  }
0x1e: {  	[tilespmem:$0x3150] =	vst v0  }
0x1f: {  	[tilespmem:$0x3160] =	vst v0  }
0x20: {  	[tilespmem:$0x3170] =	vst v0  }
0x21: {  	[tilespmem:$0x3180] =	vst v0  }
0x22: {  	[tilespmem:$0x3190] =	vst v0  }
0x23: {  	[tilespmem:$0x31A0] =	vst v0  }
0x24: {  	[tilespmem:$0x31B0] =	vst v0  }
0x25: {  	[tilespmem:$0x31C0] =	vst v0  }
0x26: {  	[tilespmem:$0x31D0] =	vst v0  }
0x27: {  	[tilespmem:$0x31E0] =	vst v0  }
0x28: {  	[tilespmem:$0x31F0] =	vst v0  }
0x29: {  	[tilespmem:$0x3200] =	vst v0  }
0x2a: {  	[tilespmem:$0x3210] =	vst v0  }
0x2b: {  	[tilespmem:$0x3220] =	vst v0  }
0x2c: {  	[tilespmem:$0x3230] =	vst v0  }
0x2d: {  	[tilespmem:$0x3240] =	vst v0  }
0x2e: {  	[tilespmem:$0x3250] =	vst v0  }
0x2f: {  	[tilespmem:$0x3260] =	vst v0  }
0x30: {  	[tilespmem:$0x3270] =	vst v0  }
0x31: {  	[tilespmem:$0x3280] =	vst v0  }
0x32: {  	[tilespmem:$0x3290] =	vst v0  }
0x33: {  	[tilespmem:$0x32A0] =	vst v0  }
0x34: {  	[tilespmem:$0x32B0] =	vst v0  }
0x35: {  	[tilespmem:$0x32C0] =	vst v0  }
0x36: {  	[tilespmem:$0x32D0] =	vst v0  }
0x37: {  	[tilespmem:$0x32E0] =	vst v0  }
0x38: {  	[tilespmem:$0x32F0] =	vst v0  }
0x39: {  	[tilespmem:$0x3000] =	vst v1  }
0x3a: {  	[tilespmem:$0x3010] =	vst v1  }
0x3b: {  	[tilespmem:$0x3020] =	vst v1  }
0x3c: {  	[tilespmem:$0x3030] =	vst v1  }
0x3d: {  	[tilespmem:$0x3040] =	vst v1  }
0x3e: {  	[tilespmem:$0x3050] =	vst v1  }
0x3f: {  	[tilespmem:$0x3060] =	vst v1  }
0x40: {  	[tilespmem:$0x3070] =	vst v1  }
0x41: {  	[spmem:s5] =	stream.linear.scatter [tilespmem:s10], [sflag:$0x1], $0x280, $0x38;
	[tilespmem:$0x3580] =	vst v63  }
0x42: {  	_ =	swait.ge [sflag:s11], $0x280  }
0x43: {  	[sflag:s11] =	ssyncset.done $0x0  }
0x44: {  	[sflag:s11] =	ssyncadd.s32 $0xFFFFFD80  }
0x45: {  	s19 =	simm.s32 @p0 $0x0;
	[bflag:$0x0] =	sbarrier.arrive $0xFFFF  }
0x46: {  	[tilespmem:s19], [sflag:$0x1] =	stream.linear.gather @p0 [hbm4b:s6+s19], $0x2180, $0x38;
	[tilespmem:$0x3580] =	vst v63  }
0x47: {  	s19 =	simm.s32 @p0 $0x1  }
0x48: {  	_ =	swait.ge @p0 [sflag:s19], $0x2180  }
0x49: {  	[sflag:s19] =	ssyncset.done @p0 $0x0  }
0x4a: {  	[sflag:s19] =	ssyncadd.s32 @p0 $0xFFFFDE80;
	s19 =	simm.s32 @!p0 $0x0  }
0x4b: {  	[tilespmem:s19], [sflag:$0x1] =	stream.linear.gather @!p0 [hbm4b:s7+s19], $0x2D00, $0x38;
	[tilespmem:$0x3580] =	vst v63  }
0x4c: {  	s19 =	simm.s32 @!p0 $0x1  }
0x4d: {  	p1 =	sne.s32 s4, $0x1;
	_ =	swait.ge @!p0 [sflag:s19], $0x2D00  }
.Ltmp0:
0x4e: {  	[sflag:s19] =	ssyncset.done @!p0 $0x0;
	(pc) =	sbr.rel @!p1 .LBB2_3-.Ltmp0, $4  }
0x4f: {  	[sflag:s19] =	ssyncadd.s32 @!p0 $0xFFFFD300  }
0x50: {  	[spmem:s2] =	stream.indirect.scatter.add.f32 [tilespmem:s13], [sflag:$0x1], $0x1, s3, s12, $0xb8;
	[tilespmem:$0x3580] =	vst v63  }
0x51: {  	_ =	swait.ge [sflag:s11], $0x80  }
0x52: {  	s20 =	simm.s32 $0x0;
	s19 =	sadd.s32 $0xFFFFFFFF, s4;
	[sflag:s11] =	ssyncset.done $0x0  }
.LBB2_2:
0x53: {  	p1 =	sne.s32 s19, $0x1;
	[sflag:s11] =	ssyncadd.s32 $0xFFFFFF80;
	s20 =	sadd.s32 $0x80, s20  }
.Ltmp1:
0x54: {  	s19 =	sadd.s32 $0xFFFFFFFF, s19;
	(pc) =	sbr.rel @p1 .LBB2_2-.Ltmp1, $4  }
0x55: {  	_ = 	snop  }
0x56: {  	[spmem:s2] =	stream.indirect.scatter.add.f32 [tilespmem:s13], [sflag:$0x1], $0x1, s20, s12, $0xb8;
	[tilespmem:$0x3580] =	vst v63  }
0x57: {  	_ =	swait.ge [sflag:s11], $0x80  }
0x58: {  	[sflag:s11] =	ssyncset.done $0x0  }
.LBB2_3:
0x59: {  	s18 =	sadd.s32 $0x1, s18  }
0x5a: {  	[sflag:s11] =	ssyncadd.s32 $0xFFFFFF80;
	p1 =	sne.s32 s18, s9  }
.Ltmp2:
0x5b: {  	[bflag:$0x0] =	sbarrier.arrive $0xFFFF;
	(pc) =	sbr.rel @p1 .LBB2_1-.Ltmp2, $4  }
0x5c: {  	[hbm:s8@s16], [sflag:s14] =	dma.strided [spmem:s15@s17], $0x50, s11, $0x10   }
0x5d: {  	_ =	swait.ge [sflag:s11], $0x50  }
0x5e: {  	[sflag:s11] =	ssyncset.done $0x0  }
0x5f: {  	[sflag:s11] =	ssyncadd.s32 $0xFFFFFFB0  }
0x60: {  	_ =	sfence.sel $0x180000  }
0x61: {  	[bflag:$0x0] =	sbarrier.arrive $0xFFFF  }
0x62: {  	p0 =	sne.s32 s1, $0x0;
	_ =	strace $0x90000047  }
0x63: {  	s0 =	sadd.s32 @!p0 $0x100000, s0;
	[bflag:$0x2] =	sbarrier.arrive $0xFFFF  }
0x64: {  	[sflag:s0] =	ssyncadd.tile.s32 @!p0 $0x1;
	_ =	shalt  }
.Lfunc_end2:
_tile_overlayer_lowered:
.L_overlay_start_2:
0x65: {  	(tag) =	ssettag $0x2  }
0x66: {  	s0 =	rddreg [dreg:$0x0];
	s2 =	stileid.u32  }
0x67: {  	s1 =	rddreg [dreg:$0x1];
	p0 =	sne.s32 s2, $0x0  }
0x68: {  	s3 =	rddreg [dreg:$0x2];
	[bflag:$0x3] =	sbarrier.arrive $0xFFFF;
	s2 =	simm.s32 @!p0 $0x1C01  }
0x69: {  	[timem:s3], [sflag:s2] =	dma.local @!p0 [hbm:s0], s1  }
0x6a: {  	s0 =	simm.s32 @!p0 $0x1  }
0x6b: {  	_ =	swait.ge @!p0 [sflag:s0], s1  }
0x6c: {  	s1 =	ssub.s32 @!p0 $0x0, s1;
	[sflag:s0] =	ssyncset.done @!p0 $0x0  }
0x6d: {  	[sflag:s0] =	ssyncadd.s32 @!p0 s1  }
0x6e: {  	[bflag:$0x3] =	sbarrier.arrive $0xFFFF  }
0x6f: {  	_ =	shalt  }

</sc_bundles>
